<compile_context>
chip_gen: v7x
topology: tpu7x:2x2x1
jax: 0.10.2.dev20260603
libtpu: 0.0.44.dev20260713+nightly
codegen_flags: <defaults>
</compile_context>

<pallas_src>
import functools

import jax
import jax.numpy as jnp
from jax import lax
from jax.experimental import pallas as pl
from jax.experimental.pallas import tpu as pltpu
from jax.experimental.pallas import tpu_sc as plsc

NC = 2
NS = 16
NW = NC * NS
B = 64
LANES = 16
CW = 128


def _sc_segment_sum(nb, np_pad, h):
  ZB = 64
  n_chunks = np_pad // ZB
  q = -(-np_pad // CW)
  np_cpad = -(-q // 8) * 8
  cnt_rpt = 8
  cnt_nchunks = np_cpad // cnt_rpt

  mesh = plsc.VectorSubcoreMesh(core_axis_name="c", subcore_axis_name="s",
                                num_cores=NC, num_subcores=NS)

  @functools.partial(
      pl.kernel,
      out_type=(
          jax.ShapeDtypeStruct((NC, np_pad, h), jnp.float32),
          jax.ShapeDtypeStruct((NC, np_cpad, CW), jnp.float32),
      ),
      mesh=mesh,
      scratch_types=[
          pltpu.VMEM((2, B), jnp.int32),
          pltpu.VMEM((2, B), jnp.int32),
          pltpu.VMEM((2, B), jnp.int32),
          pltpu.VMEM((2, B), jnp.int32),
          pltpu.VMEM((2, B, h), jnp.float32),
          pltpu.VMEM((B, CW), jnp.float32),
          pltpu.VMEM_SHARED((np_pad, h), jnp.float32),
          pltpu.VMEM_SHARED((np_cpad, CW), jnp.float32),
          pltpu.SemaphoreType.DMA,
          pltpu.SemaphoreType.DMA,
          pltpu.SemaphoreType.DMA,
          pltpu.SemaphoreType.DMA,
          pltpu.SemaphoreType.DMA,
      ],
  )
  def k(xc_hbm, oh_hbm, src_hbm, dst_hbm, acc_out, cnt_out,
        src_v, dst_v, hi_v, lo_v, rows_v, pay_v, acc_sh, cnt_sh,
        g0, g1, gp, s0, s1):
    c = lax.axis_index("c")
    s = lax.axis_index("s")
    wid = s * NC + c
    gsem = (g0, g1)
    ssem = (s0, s1)

    def init_row(i, _):
      for q in range(h // LANES):
        rows_v[0, i, pl.ds(q * LANES, LANES)] = jnp.zeros((LANES,), jnp.float32)
      return _
    lax.fori_loop(0, B, init_row, None)

    @pl.loop(s, n_chunks, step=NS)
    def zero_chunk(kk):
      pltpu.sync_copy(rows_v.at[0, pl.ds(0, ZB)], acc_sh.at[pl.ds(kk * ZB, ZB)])

    @pl.loop(s, cnt_nchunks, step=NS)
    def zero_cnt(kk):
      pltpu.sync_copy(rows_v.at[0, pl.ds(0, cnt_rpt)],
                      cnt_sh.at[pl.ds(kk * cnt_rpt, cnt_rpt)])
    plsc.subcore_barrier()

    def split_src(b):
      for q in range(B // LANES):
        s16 = src_v[b, pl.ds(q * LANES, LANES)]
        hi_v[b, pl.ds(q * LANES, LANES)] = lax.shift_right_logical(s16, 7)
        lo_v[b, pl.ds(q * LANES, LANES)] = lax.bitwise_and(s16, CW - 1)

    def load_idx(j, b):
      pltpu.sync_copy(src_hbm.at[wid, j], src_v.at[b])
      pltpu.sync_copy(dst_hbm.at[wid, j], dst_v.at[b])

    load_idx(0, 0)
    pltpu.async_copy(xc_hbm.at[dst_v.at[0]], rows_v.at[0], gsem[0])
    split_src(0)
    pltpu.async_copy(oh_hbm.at[lo_v.at[0]], pay_v, gp)

    @pl.loop(0, nb // 2)
    def lp(j2):
      for b in (0, 1):
        b1 = 1 - b
        j = j2 * 2 + b

        @pl.when(j + 1 < nb)
        def _():
          @pl.when(j >= 1)
          def _():
            pltpu.make_async_copy(rows_v.at[b1], acc_sh.at[src_v.at[b1]],
                                  ssem[b1]).wait()
          load_idx(j + 1, b1)
          pltpu.async_copy(xc_hbm.at[dst_v.at[b1]], rows_v.at[b1], gsem[b1])
          split_src(b1)

        pltpu.make_async_copy(xc_hbm.at[dst_v.at[b]], rows_v.at[b], gsem[b]).wait()
        pltpu.async_copy(rows_v.at[b], acc_sh.at[src_v.at[b]], ssem[b], add=True)
        pltpu.make_async_copy(oh_hbm.at[lo_v.at[b]], pay_v, gp).wait()
        pltpu.sync_copy(pay_v, cnt_sh.at[hi_v.at[b]], add=True)

        @pl.when(j + 1 < nb)
        def _():
          pltpu.async_copy(oh_hbm.at[lo_v.at[b1]], pay_v, gp)

    for b in (0, 1):
      pltpu.make_async_copy(rows_v.at[b], acc_sh.at[src_v.at[b]], ssem[b]).wait()
    plsc.subcore_barrier()

    @pl.loop(s, n_chunks, step=NS)
    def out_chunk(kk):
      pltpu.sync_copy(acc_sh.at[pl.ds(kk * ZB, ZB)], rows_v.at[0, pl.ds(0, ZB)])
      pltpu.sync_copy(rows_v.at[0, pl.ds(0, ZB)], acc_out.at[c, pl.ds(kk * ZB, ZB)])

    @pl.loop(s, cnt_nchunks, step=NS)
    def out_cnt(kk):
      pltpu.sync_copy(cnt_sh.at[pl.ds(kk * cnt_rpt, cnt_rpt)], rows_v.at[1, pl.ds(0, cnt_rpt)])
      pltpu.sync_copy(rows_v.at[1, pl.ds(0, cnt_rpt)], cnt_out.at[c, pl.ds(kk * cnt_rpt, cnt_rpt)])

  return k


def _dense_body(xp_ref, acc_ref, cnt_ref, w1_ref, b1_ref, w2_ref, b2_ref,
                wu_ref, bu_ref, g_ref, bt_ref, out_ref):
  xp = xp_ref[...]
  ssum = acc_ref[0] + acc_ref[1]
  cnt = cnt_ref[0] + cnt_ref[1]
  hid = jnp.maximum(
      jnp.dot(xp, w1_ref[...], preferred_element_type=jnp.float32) + b1_ref[...],
      0.0)
  pred = jnp.dot(hid, w2_ref[...], preferred_element_type=jnp.float32) + b2_ref[...]
  agg = (ssum - cnt * pred) / jnp.maximum(cnt, 1.0)
  upd = jnp.dot(agg, wu_ref[...], preferred_element_type=jnp.float32) + bu_ref[...]
  t = xp + upd
  m = jnp.mean(t, axis=1, keepdims=True)
  v = jnp.mean((t - m) * (t - m), axis=1, keepdims=True)
  out_ref[...] = (t - m) * lax.rsqrt(v + 1e-5) * g_ref[...] + bt_ref[...]


def kernel(x_parent, x_child, edge_index, W1, b1, W2, b2, Wu, bu, gamma, beta):
  np_, h = x_parent.shape
  e = edge_index.shape[1]

  np_pad = -(-(np_ + 1) // 64) * 64
  chunk = NW * B
  e_pad = -(-e // (2 * chunk)) * (2 * chunk)
  nb = e_pad // chunk

  onehot = jnp.eye(CW, dtype=jnp.float32)

  src = edge_index[0]
  dst = edge_index[1]
  pad = e_pad - e
  if pad:
    src = jnp.concatenate([src, jnp.full((pad,), np_, jnp.int32)])
    dst = jnp.concatenate([dst, jnp.zeros((pad,), jnp.int32)])
  src3 = src.reshape(NW, nb, B)
  dst3 = dst.reshape(NW, nb, B)

  acc, cnt = _sc_segment_sum(nb, np_pad, h)(x_child, onehot, src3, dst3)
  cnt_col = cnt.reshape(NC, -1, 1)

  r = 1000 if np_ % 1000 == 0 else np_
  grid = (np_ // r,)
  new_parent = pl.pallas_call(
      _dense_body,
      grid=grid,
      in_specs=[
          pl.BlockSpec((r, h), lambda i: (i, 0)),
          pl.BlockSpec((NC, r, h), lambda i: (0, i, 0)),
          pl.BlockSpec((NC, r, 1), lambda i: (0, i, 0)),
          pl.BlockSpec((h, h), lambda i: (0, 0)),
          pl.BlockSpec((1, h), lambda i: (0, 0)),
          pl.BlockSpec((h, h), lambda i: (0, 0)),
          pl.BlockSpec((1, h), lambda i: (0, 0)),
          pl.BlockSpec((h, h), lambda i: (0, 0)),
          pl.BlockSpec((1, h), lambda i: (0, 0)),
          pl.BlockSpec((1, h), lambda i: (0, 0)),
          pl.BlockSpec((1, h), lambda i: (0, 0)),
      ],
      out_specs=pl.BlockSpec((r, h), lambda i: (i, 0)),
      out_shape=jax.ShapeDtypeStruct((np_, h), jnp.float32),
  )(x_parent, acc[:, :np_], cnt_col[:, :np_],
    W1, b1.reshape(1, h), W2, b2.reshape(1, h), Wu, bu.reshape(1, h),
    gamma.reshape(1, h), beta.reshape(1, h))

  return (new_parent, x_child)

# --- scband reference (transcript-rebuilt; emitter-appended) ---
"""Pipeline reference for scband-prmpconv-1099511628113 (READ-ONLY COPY).

The authoritative reference and input builder live on the scoring server;
editing this copy changes nothing except your own understanding.
"""

import jax, jax.numpy as jnp
import numpy as np

N_PARENT = 10000
N_CHILD = 10000
E = 320000
H = 128


def _layer_norm(x, gamma, beta, eps=1e-5):
    m = jnp.mean(x, axis=-1, keepdims=True)
    v = jnp.var(x, axis=-1, keepdims=True)
    return (x - m) / jnp.sqrt(v + eps) * gamma + beta


def setup_inputs(seed: int = 0) -> dict:
    key = jax.random.key(seed)
    ks = jax.random.split(key, 10)
    x_parent = jax.random.normal(ks[0], (N_PARENT, H), dtype=jnp.float32)
    x_child = jax.random.normal(ks[1], (N_CHILD, H), dtype=jnp.float32)
    edge_index = jax.random.randint(ks[2], (2, E), 0, N_PARENT, dtype=jnp.int32)
    s = 1.0 / np.sqrt(H)
    W1 = jax.random.uniform(ks[3], (H, H), jnp.float32, -s, s)
    b1 = jax.random.uniform(ks[4], (H,), jnp.float32, -s, s)
    W2 = jax.random.uniform(ks[5], (H, H), jnp.float32, -s, s)
    b2 = jax.random.uniform(ks[6], (H,), jnp.float32, -s, s)
    Wu = jax.random.uniform(ks[7], (H, H), jnp.float32, -s, s)
    bu = jax.random.uniform(ks[8], (H,), jnp.float32, -s, s)
    gamma = jnp.ones((H,), jnp.float32)
    beta = jnp.zeros((H,), jnp.float32)
    return {"x_parent": x_parent, "x_child": x_child, "edge_index": edge_index,
            "W1": W1, "b1": b1, "W2": W2, "b2": b2, "Wu": Wu, "bu": bu,
            "gamma": gamma, "beta": beta}


def reference(x_parent, x_child, edge_index, W1, b1, W2, b2, Wu, bu, gamma, beta):
    # PRMPConv forward for the single FK edge type ('parent','fk','child').
    src = edge_index[0]
    dst = edge_index[1]
    # 1) predict child embeddings from gathered parent feats: MLP = Lin->ReLU->Lin
    h = jnp.maximum(jnp.take(x_parent, src, axis=0) @ W1 + b1, 0.0)
    pred_child = h @ W2 + b2
    # 2) residuals
    residuals = jnp.take(x_child, dst, axis=0) - pred_child
    # 3) scatter-mean residuals back to parent (empty segments -> 0, matching scatter mean)
    sums = jax.ops.segment_sum(residuals, src, num_segments=x_parent.shape[0])
    cnt = jax.ops.segment_sum(jnp.ones((src.shape[0],), jnp.float32), src,
                              num_segments=x_parent.shape[0])
    agg = sums / jnp.clip(cnt, 1.0)[:, None]
    # 4) update parent + LayerNorm
    update = agg @ Wu + bu
    new_parent = _layer_norm(x_parent + update, gamma, beta)
    # child embeddings pass through unchanged (cloned in torch)
    return (new_parent, x_child)

if __name__ == "__main__":
    import jax
    _d = setup_inputs()
    print(jax.jit(kernel)(*tuple(_d.values())))

</pallas_src>

<mosaic_0001>
#map = affine_map<(d0, d1) -> (0, 0)>
#map1 = affine_map<(d0, d1) -> (0, 0, 0)>
module attributes {stable_mosaic.version = 14 : i64} {
  func.func @k(%arg0: i32, %arg1: i32, %arg2: memref<10000x128xf32, #tpu.memory_space<hbm>>, %arg3: memref<128x128xf32, #tpu.memory_space<hbm>>, %arg4: memref<32x158x64xi32, #tpu.memory_space<hbm>>, %arg5: memref<32x158x64xi32, #tpu.memory_space<hbm>>, %arg6: memref<2x10048x128xf32, #tpu.memory_space<hbm>>, %arg7: memref<2x80x128xf32, #tpu.memory_space<hbm>>, %arg8: memref<2x64xi32, #tpu.memory_space<vmem>>, %arg9: memref<2x64xi32, #tpu.memory_space<vmem>>, %arg10: memref<2x64xi32, #tpu.memory_space<vmem>>, %arg11: memref<2x64xi32, #tpu.memory_space<vmem>>, %arg12: memref<2x64x128xf32, #tpu.memory_space<vmem>>, %arg13: memref<64x128xf32, #tpu.memory_space<vmem>>, %arg14: memref<10048x128xf32, #tpu.memory_space<vmem_shared>>, %arg15: memref<80x128xf32, #tpu.memory_space<vmem_shared>>, %arg16: memref<!tpu.dma_semaphore, #tpu.memory_space<semaphore_mem>>, %arg17: memref<!tpu.dma_semaphore, #tpu.memory_space<semaphore_mem>>, %arg18: memref<!tpu.dma_semaphore, #tpu.memory_space<semaphore_mem>>, %arg19: memref<!tpu.dma_semaphore, #tpu.memory_space<semaphore_mem>>, %arg20: memref<!tpu.dma_semaphore, #tpu.memory_space<semaphore_mem>>) attributes {dimension_semantics = [#tpu.dimension_semantics<core_parallel>, #tpu.dimension_semantics<subcore_parallel>], iteration_bounds = array<i64: 2, 16>, scalar_prefetch = 0 : i64, scratch_operands = 13 : i64, tpu.core_type = #tpu.core_type<sc_vector_subcore>, window_params = [{transform_indices = #map}, {transform_indices = #map}, {transform_indices = #map1}, {transform_indices = #map1}, {transform_indices = #map1}, {transform_indices = #map1}]} {
    %mul3A = arith.constant 2 : i32
    %mul3A_0 = arith.muli %arg1, %mul3A : i32
    %add3A = arith.addi %mul3A_0, %arg0 : i32
    %scan3A = arith.constant 0 : i32
    %scan3A_1 = arith.constant 64 : i32
    %scan3A_2 = arith.addi %scan3A, %scan3A_1 : i32
    %scan3A_3 = arith.constant 1 : i32
    scf.for %scan3A_212 = %scan3A to %scan3A_2 step %scan3A_3  : i32 {
      %broadcast_in_dim3A = arith.constant 0.000000e+00 : f32
      %broadcast_in_dim3A_213 = vector.broadcast %broadcast_in_dim3A : f32 to vector<16xf32>
      %swap3A_214 = arith.constant 0 : i32
      %swap3A_215 = arith.index_cast %swap3A_214 : i32 to index
      %swap3A_216 = arith.index_cast %scan3A_212 : i32 to index
      %swap3A_217 = arith.constant 0 : index
      %swap3A_218 = tpu.vector_load %arg12[%swap3A_215, %swap3A_216, %swap3A_217] {strides = array<i32>} : memref<2x64x128xf32, #tpu.memory_space<vmem>>, vector<1x1x16xf32>,
      %swap3A_219 = vector.shape_cast %swap3A_218 : vector<1x1x16xf32> to vector<16xf32>
      %swap3A_220 = vector.shape_cast %broadcast_in_dim3A_213 : vector<16xf32> to vector<1x1x16xf32>
      tpu.vector_store %arg12[%swap3A_215, %swap3A_216, %swap3A_217], %swap3A_220 {strides = array<i32>} : memref<2x64x128xf32, #tpu.memory_space<vmem>>, vector<1x1x16xf32>,
      %broadcast_in_dim3A_221 = arith.constant 0.000000e+00 : f32
      %broadcast_in_dim3A_222 = vector.broadcast %broadcast_in_dim3A_221 : f32 to vector<16xf32>
      %swap3A_223 = arith.constant 0 : i32
      %swap3A_224 = arith.index_cast %swap3A_223 : i32 to index
      %swap3A_225 = arith.index_cast %scan3A_212 : i32 to index
      %swap3A_226 = arith.constant 16 : index
      %swap3A_227 = tpu.vector_load %arg12[%swap3A_224, %swap3A_225, %swap3A_226] {strides = array<i32>} : memref<2x64x128xf32, #tpu.memory_space<vmem>>, vector<1x1x16xf32>,
      %swap3A_228 = vector.shape_cast %swap3A_227 : vector<1x1x16xf32> to vector<16xf32>
      %swap3A_229 = vector.shape_cast %broadcast_in_dim3A_222 : vector<16xf32> to vector<1x1x16xf32>
      tpu.vector_store %arg12[%swap3A_224, %swap3A_225, %swap3A_226], %swap3A_229 {strides = array<i32>} : memref<2x64x128xf32, #tpu.memory_space<vmem>>, vector<1x1x16xf32>,
      %broadcast_in_dim3A_230 = arith.constant 0.000000e+00 : f32
      %broadcast_in_dim3A_231 = vector.broadcast %broadcast_in_dim3A_230 : f32 to vector<16xf32>
      %swap3A_232 = arith.constant 0 : i32
      %swap3A_233 = arith.index_cast %swap3A_232 : i32 to index
      %swap3A_234 = arith.index_cast %scan3A_212 : i32 to index
      %swap3A_235 = arith.constant 32 : index
      %swap3A_236 = tpu.vector_load %arg12[%swap3A_233, %swap3A_234, %swap3A_235] {strides = array<i32>} : memref<2x64x128xf32, #tpu.memory_space<vmem>>, vector<1x1x16xf32>,
      %swap3A_237 = vector.shape_cast %swap3A_236 : vector<1x1x16xf32> to vector<16xf32>
      %swap3A_238 = vector.shape_cast %broadcast_in_dim3A_231 : vector<16xf32> to vector<1x1x16xf32>
      tpu.vector_store %arg12[%swap3A_233, %swap3A_234, %swap3A_235], %swap3A_238 {strides = array<i32>} : memref<2x64x128xf32, #tpu.memory_space<vmem>>, vector<1x1x16xf32>,
      %broadcast_in_dim3A_239 = arith.constant 0.000000e+00 : f32
      %broadcast_in_dim3A_240 = vector.broadcast %broadcast_in_dim3A_239 : f32 to vector<16xf32>
      %swap3A_241 = arith.constant 0 : i32
      %swap3A_242 = arith.index_cast %swap3A_241 : i32 to index
      %swap3A_243 = arith.index_cast %scan3A_212 : i32 to index
      %swap3A_244 = arith.constant 48 : index
      %swap3A_245 = tpu.vector_load %arg12[%swap3A_242, %swap3A_243, %swap3A_244] {strides = array<i32>} : memref<2x64x128xf32, #tpu.memory_space<vmem>>, vector<1x1x16xf32>,
      %swap3A_246 = vector.shape_cast %swap3A_245 : vector<1x1x16xf32> to vector<16xf32>
      %swap3A_247 = vector.shape_cast %broadcast_in_dim3A_240 : vector<16xf32> to vector<1x1x16xf32>
      tpu.vector_store %arg12[%swap3A_242, %swap3A_243, %swap3A_244], %swap3A_247 {strides = array<i32>} : memref<2x64x128xf32, #tpu.memory_space<vmem>>, vector<1x1x16xf32>,
      %broadcast_in_dim3A_248 = arith.constant 0.000000e+00 : f32
      %broadcast_in_dim3A_249 = vector.broadcast %broadcast_in_dim3A_248 : f32 to vector<16xf32>
      %swap3A_250 = arith.constant 0 : i32
      %swap3A_251 = arith.index_cast %swap3A_250 : i32 to index
      %swap3A_252 = arith.index_cast %scan3A_212 : i32 to index
      %swap3A_253 = arith.constant 64 : index
      %swap3A_254 = tpu.vector_load %arg12[%swap3A_251, %swap3A_252, %swap3A_253] {strides = array<i32>} : memref<2x64x128xf32, #tpu.memory_space<vmem>>, vector<1x1x16xf32>,
      %swap3A_255 = vector.shape_cast %swap3A_254 : vector<1x1x16xf32> to vector<16xf32>
      %swap3A_256 = vector.shape_cast %broadcast_in_dim3A_249 : vector<16xf32> to vector<1x1x16xf32>
      tpu.vector_store %arg12[%swap3A_251, %swap3A_252, %swap3A_253], %swap3A_256 {strides = array<i32>} : memref<2x64x128xf32, #tpu.memory_space<vmem>>, vector<1x1x16xf32>,
      %broadcast_in_dim3A_257 = arith.constant 0.000000e+00 : f32
      %broadcast_in_dim3A_258 = vector.broadcast %broadcast_in_dim3A_257 : f32 to vector<16xf32>
      %swap3A_259 = arith.constant 0 : i32
      %swap3A_260 = arith.index_cast %swap3A_259 : i32 to index
      %swap3A_261 = arith.index_cast %scan3A_212 : i32 to index
      %swap3A_262 = arith.constant 80 : index
      %swap3A_263 = tpu.vector_load %arg12[%swap3A_260, %swap3A_261, %swap3A_262] {strides = array<i32>} : memref<2x64x128xf32, #tpu.memory_space<vmem>>, vector<1x1x16xf32>,
      %swap3A_264 = vector.shape_cast %swap3A_263 : vector<1x1x16xf32> to vector<16xf32>
      %swap3A_265 = vector.shape_cast %broadcast_in_dim3A_258 : vector<16xf32> to vector<1x1x16xf32>
      tpu.vector_store %arg12[%swap3A_260, %swap3A_261, %swap3A_262], %swap3A_265 {strides = array<i32>} : memref<2x64x128xf32, #tpu.memory_space<vmem>>, vector<1x1x16xf32>,
      %broadcast_in_dim3A_266 = arith.constant 0.000000e+00 : f32
      %broadcast_in_dim3A_267 = vector.broadcast %broadcast_in_dim3A_266 : f32 to vector<16xf32>
      %swap3A_268 = arith.constant 0 : i32
      %swap3A_269 = arith.index_cast %swap3A_268 : i32 to index
      %swap3A_270 = arith.index_cast %scan3A_212 : i32 to index
      %swap3A_271 = arith.constant 96 : index
      %swap3A_272 = tpu.vector_load %arg12[%swap3A_269, %swap3A_270, %swap3A_271] {strides = array<i32>} : memref<2x64x128xf32, #tpu.memory_space<vmem>>, vector<1x1x16xf32>,
      %swap3A_273 = vector.shape_cast %swap3A_272 : vector<1x1x16xf32> to vector<16xf32>
      %swap3A_274 = vector.shape_cast %broadcast_in_dim3A_267 : vector<16xf32> to vector<1x1x16xf32>
      tpu.vector_store %arg12[%swap3A_269, %swap3A_270, %swap3A_271], %swap3A_274 {strides = array<i32>} : memref<2x64x128xf32, #tpu.memory_space<vmem>>, vector<1x1x16xf32>,
      %broadcast_in_dim3A_275 = arith.constant 0.000000e+00 : f32
      %broadcast_in_dim3A_276 = vector.broadcast %broadcast_in_dim3A_275 : f32 to vector<16xf32>
      %swap3A_277 = arith.constant 0 : i32
      %swap3A_278 = arith.index_cast %swap3A_277 : i32 to index
      %swap3A_279 = arith.index_cast %scan3A_212 : i32 to index
      %swap3A_280 = arith.constant 112 : index
      %swap3A_281 = tpu.vector_load %arg12[%swap3A_278, %swap3A_279, %swap3A_280] {strides = array<i32>} : memref<2x64x128xf32, #tpu.memory_space<vmem>>, vector<1x1x16xf32>,
      %swap3A_282 = vector.shape_cast %swap3A_281 : vector<1x1x16xf32> to vector<16xf32>
      %swap3A_283 = vector.shape_cast %broadcast_in_dim3A_276 : vector<16xf32> to vector<1x1x16xf32>
      tpu.vector_store %arg12[%swap3A_278, %swap3A_279, %swap3A_280], %swap3A_283 {strides = array<i32>} : memref<2x64x128xf32, #tpu.memory_space<vmem>>, vector<1x1x16xf32>,
    }
    %scan3A_4 = arith.constant 64 : i32
    %sub3A = arith.constant 157 : i32
    %sub3A_5 = arith.subi %sub3A, %arg1 : i32
    %sub3A_6 = arith.constant 16 : i32
    %sub3A_7 = arith.constant 1 : i32
    %sub3A_8 = arith.subi %sub3A_6, %sub3A_7 : i32
    %add3A_9 = arith.addi %sub3A_5, %sub3A_8 : i32
    %div3A = arith.constant 16 : i32
    %div3A_10 = arith.divsi %add3A_9, %div3A : i32
    %while3A = arith.constant 16 : i32
    %while3A_11 = arith.constant 0 : i32
    %while3A_12 = arith.subi %div3A_10, %while3A_11 : i32
    %while3A_13 = arith.addi %while3A_11, %while3A_12 : i32
    %while3A_14 = arith.constant 1 : i32
    %while3A_15 = arith.divsi %while3A_12, %while3A_14 : i32
    %while3A_16 = arith.muli %while3A_15, %while3A_14 : i32
    %while3A_17 = arith.addi %while3A_11, %while3A_16 : i32
    %while3A_18 = arith.constant 1 : i32
    scf.for %while3A_212 = %while3A_11 to %while3A_17 step %while3A_18  : i32 {
      %mul3A_213 = arith.muli %while3A_212, %while3A : i32
      %add3A_214 = arith.addi %arg1, %mul3A_213 : i32
      %mul3A_215 = arith.constant 64 : i32
      %mul3A_216 = arith.muli %add3A_214, %mul3A_215 : i32
      %run_scoped3A_217 = arith.constant 0 : i32
      "tpu.region"() ({
        %run_scoped3A_218 = tpu.sem_alloc : memref<!tpu.dma_semaphore, #tpu.memory_space<semaphore_mem>>
        %dma_start3A_219 = arith.constant 0 : i32
        %dma_start3A_220 = arith.constant 0 : i32
        %dma_start3A_221 = tpu.memref_slice %arg12[%run_scoped3A_217, %dma_start3A_219, %dma_start3A_220] : memref<2x64x128xf32, #tpu.memory_space<vmem>> -> memref<1x64x128xf32, #tpu.memory_space<vmem>>
        %dma_start3A_222 = tpu.memref_squeeze %dma_start3A_221 : memref<1x64x128xf32, #tpu.memory_space<vmem>> -> memref<64x128xf32, #tpu.memory_space<vmem>>
        %dma_start3A_223 = arith.constant 0 : i32
        %dma_start3A_224 = tpu.memref_slice %arg14[%mul3A_216, %dma_start3A_223] : memref<10048x128xf32, #tpu.memory_space<vmem_shared>> -> memref<64x128xf32, #tpu.memory_space<vmem_shared>>
        %dma_start3A_225 = arith.constant 0 : i32
        %dma_start3A_226 = tpu.memref_slice %arg14[%mul3A_216, %dma_start3A_225] : memref<10048x128xf32, #tpu.memory_space<vmem_shared>> -> memref<64x128xf32, #tpu.memory_space<vmem_shared>>
        %dma_start3A_227 = arith.constant 0 : i32
        %dma_start3A_228 = arith.constant 0 : i32
        %dma_start3A_229 = tpu.memref_slice %arg12[%run_scoped3A_217, %dma_start3A_227, %dma_start3A_228] : memref<2x64x128xf32, #tpu.memory_space<vmem>> -> memref<1x64x128xf32, #tpu.memory_space<vmem>>
        %dma_start3A_230 = tpu.memref_squeeze %dma_start3A_229 : memref<1x64x128xf32, #tpu.memory_space<vmem>> -> memref<64x128xf32, #tpu.memory_space<vmem>>
        tpu.enqueue_dma source(%dma_start3A_230 : memref<64x128xf32, #tpu.memory_space<vmem>>) target(%dma_start3A_226 : memref<64x128xf32, #tpu.memory_space<vmem_shared>>) target_semaphore(%run_scoped3A_218 : memref<!tpu.dma_semaphore, #tpu.memory_space<semaphore_mem>>)
        %dma_wait3A_231 = arith.constant 0 : i32
        %dma_wait3A_232 = arith.constant 0 : i32
        %dma_wait3A_233 = tpu.memref_slice %arg12[%run_scoped3A_217, %dma_wait3A_231, %dma_wait3A_232] : memref<2x64x128xf32, #tpu.memory_space<vmem>> -> memref<1x64x128xf32, #tpu.memory_space<vmem>>
        %dma_wait3A_234 = tpu.memref_squeeze %dma_wait3A_233 : memref<1x64x128xf32, #tpu.memory_space<vmem>> -> memref<64x128xf32, #tpu.memory_space<vmem>>
        %dma_wait3A_235 = arith.constant 0 : i32
        %dma_wait3A_236 = tpu.memref_slice %arg14[%mul3A_216, %dma_wait3A_235] : memref<10048x128xf32, #tpu.memory_space<vmem_shared>> -> memref<64x128xf32, #tpu.memory_space<vmem_shared>>
        %dma_wait3A_237 = arith.constant 0 : i32
        %dma_wait3A_238 = tpu.memref_slice %arg14[%mul3A_216, %dma_wait3A_237] : memref<10048x128xf32, #tpu.memory_space<vmem_shared>> -> memref<64x128xf32, #tpu.memory_space<vmem_shared>>
        %dma_wait3A_239 = arith.constant 0 : i32
        %dma_wait3A_240 = arith.constant 0 : i32
        %dma_wait3A_241 = tpu.memref_slice %arg12[%run_scoped3A_217, %dma_wait3A_239, %dma_wait3A_240] : memref<2x64x128xf32, #tpu.memory_space<vmem>> -> memref<1x64x128xf32, #tpu.memory_space<vmem>>
        %dma_wait3A_242 = tpu.memref_squeeze %dma_wait3A_241 : memref<1x64x128xf32, #tpu.memory_space<vmem>> -> memref<64x128xf32, #tpu.memory_space<vmem>>
        tpu.wait_dma2 semaphore(%run_scoped3A_218 : memref<!tpu.dma_semaphore, #tpu.memory_space<semaphore_mem>>) src(%dma_wait3A_242 : memref<64x128xf32, #tpu.memory_space<vmem>>) dst(%dma_wait3A_238 : memref<64x128xf32, #tpu.memory_space<vmem_shared>>)
        tpu.yield
      }) : () -> ()
    }
    %while3A_19 = arith.constant 1 : i32
    scf.for %while3A_212 = %while3A_17 to %while3A_13 step %while3A_19  : i32 {
      %mul3A_213 = arith.muli %while3A_212, %while3A : i32
      %add3A_214 = arith.addi %arg1, %mul3A_213 : i32
      %mul3A_215 = arith.constant 64 : i32
      %mul3A_216 = arith.muli %add3A_214, %mul3A_215 : i32
      %run_scoped3A_217 = arith.constant 0 : i32
      "tpu.region"() ({
        %run_scoped3A_218 = tpu.sem_alloc : memref<!tpu.dma_semaphore, #tpu.memory_space<semaphore_mem>>
        %dma_start3A_219 = arith.constant 0 : i32
        %dma_start3A_220 = arith.constant 0 : i32
        %dma_start3A_221 = tpu.memref_slice %arg12[%run_scoped3A_217, %dma_start3A_219, %dma_start3A_220] : memref<2x64x128xf32, #tpu.memory_space<vmem>> -> memref<1x64x128xf32, #tpu.memory_space<vmem>>
        %dma_start3A_222 = tpu.memref_squeeze %dma_start3A_221 : memref<1x64x128xf32, #tpu.memory_space<vmem>> -> memref<64x128xf32, #tpu.memory_space<vmem>>
        %dma_start3A_223 = arith.constant 0 : i32
        %dma_start3A_224 = tpu.memref_slice %arg14[%mul3A_216, %dma_start3A_223] : memref<10048x128xf32, #tpu.memory_space<vmem_shared>> -> memref<64x128xf32, #tpu.memory_space<vmem_shared>>
        %dma_start3A_225 = arith.constant 0 : i32
        %dma_start3A_226 = tpu.memref_slice %arg14[%mul3A_216, %dma_start3A_225] : memref<10048x128xf32, #tpu.memory_space<vmem_shared>> -> memref<64x128xf32, #tpu.memory_space<vmem_shared>>
        %dma_start3A_227 = arith.constant 0 : i32
        %dma_start3A_228 = arith.constant 0 : i32
        %dma_start3A_229 = tpu.memref_slice %arg12[%run_scoped3A_217, %dma_start3A_227, %dma_start3A_228] : memref<2x64x128xf32, #tpu.memory_space<vmem>> -> memref<1x64x128xf32, #tpu.memory_space<vmem>>
        %dma_start3A_230 = tpu.memref_squeeze %dma_start3A_229 : memref<1x64x128xf32, #tpu.memory_space<vmem>> -> memref<64x128xf32, #tpu.memory_space<vmem>>
        tpu.enqueue_dma source(%dma_start3A_230 : memref<64x128xf32, #tpu.memory_space<vmem>>) target(%dma_start3A_226 : memref<64x128xf32, #tpu.memory_space<vmem_shared>>) target_semaphore(%run_scoped3A_218 : memref<!tpu.dma_semaphore, #tpu.memory_space<semaphore_mem>>)
        %dma_wait3A_231 = arith.constant 0 : i32
        %dma_wait3A_232 = arith.constant 0 : i32
        %dma_wait3A_233 = tpu.memref_slice %arg12[%run_scoped3A_217, %dma_wait3A_231, %dma_wait3A_232] : memref<2x64x128xf32, #tpu.memory_space<vmem>> -> memref<1x64x128xf32, #tpu.memory_space<vmem>>
        %dma_wait3A_234 = tpu.memref_squeeze %dma_wait3A_233 : memref<1x64x128xf32, #tpu.memory_space<vmem>> -> memref<64x128xf32, #tpu.memory_space<vmem>>
        %dma_wait3A_235 = arith.constant 0 : i32
        %dma_wait3A_236 = tpu.memref_slice %arg14[%mul3A_216, %dma_wait3A_235] : memref<10048x128xf32, #tpu.memory_space<vmem_shared>> -> memref<64x128xf32, #tpu.memory_space<vmem_shared>>
        %dma_wait3A_237 = arith.constant 0 : i32
        %dma_wait3A_238 = tpu.memref_slice %arg14[%mul3A_216, %dma_wait3A_237] : memref<10048x128xf32, #tpu.memory_space<vmem_shared>> -> memref<64x128xf32, #tpu.memory_space<vmem_shared>>
        %dma_wait3A_239 = arith.constant 0 : i32
        %dma_wait3A_240 = arith.constant 0 : i32
        %dma_wait3A_241 = tpu.memref_slice %arg12[%run_scoped3A_217, %dma_wait3A_239, %dma_wait3A_240] : memref<2x64x128xf32, #tpu.memory_space<vmem>> -> memref<1x64x128xf32, #tpu.memory_space<vmem>>
        %dma_wait3A_242 = tpu.memref_squeeze %dma_wait3A_241 : memref<1x64x128xf32, #tpu.memory_space<vmem>> -> memref<64x128xf32, #tpu.memory_space<vmem>>
        tpu.wait_dma2 semaphore(%run_scoped3A_218 : memref<!tpu.dma_semaphore, #tpu.memory_space<semaphore_mem>>) src(%dma_wait3A_242 : memref<64x128xf32, #tpu.memory_space<vmem>>) dst(%dma_wait3A_238 : memref<64x128xf32, #tpu.memory_space<vmem_shared>>)
        tpu.yield
      }) : () -> ()
    }
    %sub3A_20 = arith.constant 10 : i32
    %sub3A_21 = arith.subi %sub3A_20, %arg1 : i32
    %sub3A_22 = arith.constant 16 : i32
    %sub3A_23 = arith.constant 1 : i32
    %sub3A_24 = arith.subi %sub3A_22, %sub3A_23 : i32
    %add3A_25 = arith.addi %sub3A_21, %sub3A_24 : i32
    %div3A_26 = arith.constant 16 : i32
    %div3A_27 = arith.divsi %add3A_25, %div3A_26 : i32
    %while3A_28 = arith.constant 16 : i32
    %while3A_29 = arith.constant 0 : i32
    %while3A_30 = arith.subi %div3A_27, %while3A_29 : i32
    %while3A_31 = arith.addi %while3A_29, %while3A_30 : i32
    %while3A_32 = arith.constant 1 : i32
    %while3A_33 = arith.divsi %while3A_30, %while3A_32 : i32
    %while3A_34 = arith.muli %while3A_33, %while3A_32 : i32
    %while3A_35 = arith.addi %while3A_29, %while3A_34 : i32
    %while3A_36 = arith.constant 1 : i32
    scf.for %while3A_212 = %while3A_29 to %while3A_35 step %while3A_36  : i32 {
      %mul3A_213 = arith.muli %while3A_212, %while3A_28 : i32
      %add3A_214 = arith.addi %arg1, %mul3A_213 : i32
      %mul3A_215 = arith.constant 8 : i32
      %mul3A_216 = arith.muli %add3A_214, %mul3A_215 : i32
      %run_scoped3A_217 = arith.constant 0 : i32
      "tpu.region"() ({
        %run_scoped3A_218 = tpu.sem_alloc : memref<!tpu.dma_semaphore, #tpu.memory_space<semaphore_mem>>
        %dma_start3A_219 = arith.constant 0 : i32
        %dma_start3A_220 = arith.constant 0 : i32
        %dma_start3A_221 = tpu.memref_slice %arg12[%run_scoped3A_217, %dma_start3A_219, %dma_start3A_220] : memref<2x64x128xf32, #tpu.memory_space<vmem>> -> memref<1x8x128xf32, #tpu.memory_space<vmem>>
        %dma_start3A_222 = tpu.memref_squeeze %dma_start3A_221 : memref<1x8x128xf32, #tpu.memory_space<vmem>> -> memref<8x128xf32, #tpu.memory_space<vmem>>
        %dma_start3A_223 = arith.constant 0 : i32
        %dma_start3A_224 = tpu.memref_slice %arg15[%mul3A_216, %dma_start3A_223] : memref<80x128xf32, #tpu.memory_space<vmem_shared>> -> memref<8x128xf32, #tpu.memory_space<vmem_shared>>
        %dma_start3A_225 = arith.constant 0 : i32
        %dma_start3A_226 = tpu.memref_slice %arg15[%mul3A_216, %dma_start3A_225] : memref<80x128xf32, #tpu.memory_space<vmem_shared>> -> memref<8x128xf32, #tpu.memory_space<vmem_shared>>
        %dma_start3A_227 = arith.constant 0 : i32
        %dma_start3A_228 = arith.constant 0 : i32
        %dma_start3A_229 = tpu.memref_slice %arg12[%run_scoped3A_217, %dma_start3A_227, %dma_start3A_228] : memref<2x64x128xf32, #tpu.memory_space<vmem>> -> memref<1x8x128xf32, #tpu.memory_space<vmem>>
        %dma_start3A_230 = tpu.memref_squeeze %dma_start3A_229 : memref<1x8x128xf32, #tpu.memory_space<vmem>> -> memref<8x128xf32, #tpu.memory_space<vmem>>
        tpu.enqueue_dma source(%dma_start3A_230 : memref<8x128xf32, #tpu.memory_space<vmem>>) target(%dma_start3A_226 : memref<8x128xf32, #tpu.memory_space<vmem_shared>>) target_semaphore(%run_scoped3A_218 : memref<!tpu.dma_semaphore, #tpu.memory_space<semaphore_mem>>)
        %dma_wait3A_231 = arith.constant 0 : i32
        %dma_wait3A_232 = arith.constant 0 : i32
        %dma_wait3A_233 = tpu.memref_slice %arg12[%run_scoped3A_217, %dma_wait3A_231, %dma_wait3A_232] : memref<2x64x128xf32, #tpu.memory_space<vmem>> -> memref<1x8x128xf32, #tpu.memory_space<vmem>>
        %dma_wait3A_234 = tpu.memref_squeeze %dma_wait3A_233 : memref<1x8x128xf32, #tpu.memory_space<vmem>> -> memref<8x128xf32, #tpu.memory_space<vmem>>
        %dma_wait3A_235 = arith.constant 0 : i32
        %dma_wait3A_236 = tpu.memref_slice %arg15[%mul3A_216, %dma_wait3A_235] : memref<80x128xf32, #tpu.memory_space<vmem_shared>> -> memref<8x128xf32, #tpu.memory_space<vmem_shared>>
        %dma_wait3A_237 = arith.constant 0 : i32
        %dma_wait3A_238 = tpu.memref_slice %arg15[%mul3A_216, %dma_wait3A_237] : memref<80x128xf32, #tpu.memory_space<vmem_shared>> -> memref<8x128xf32, #tpu.memory_space<vmem_shared>>
        %dma_wait3A_239 = arith.constant 0 : i32
        %dma_wait3A_240 = arith.constant 0 : i32
        %dma_wait3A_241 = tpu.memref_slice %arg12[%run_scoped3A_217, %dma_wait3A_239, %dma_wait3A_240] : memref<2x64x128xf32, #tpu.memory_space<vmem>> -> memref<1x8x128xf32, #tpu.memory_space<vmem>>
        %dma_wait3A_242 = tpu.memref_squeeze %dma_wait3A_241 : memref<1x8x128xf32, #tpu.memory_space<vmem>> -> memref<8x128xf32, #tpu.memory_space<vmem>>
        tpu.wait_dma2 semaphore(%run_scoped3A_218 : memref<!tpu.dma_semaphore, #tpu.memory_space<semaphore_mem>>) src(%dma_wait3A_242 : memref<8x128xf32, #tpu.memory_space<vmem>>) dst(%dma_wait3A_238 : memref<8x128xf32, #tpu.memory_space<vmem_shared>>)
        tpu.yield
      }) : () -> ()
    }
    %while3A_37 = arith.constant 1 : i32
    scf.for %while3A_212 = %while3A_35 to %while3A_31 step %while3A_37  : i32 {
      %mul3A_213 = arith.muli %while3A_212, %while3A_28 : i32
      %add3A_214 = arith.addi %arg1, %mul3A_213 : i32
      %mul3A_215 = arith.constant 8 : i32
      %mul3A_216 = arith.muli %add3A_214, %mul3A_215 : i32
      %run_scoped3A_217 = arith.constant 0 : i32
      "tpu.region"() ({
        %run_scoped3A_218 = tpu.sem_alloc : memref<!tpu.dma_semaphore, #tpu.memory_space<semaphore_mem>>
        %dma_start3A_219 = arith.constant 0 : i32
        %dma_start3A_220 = arith.constant 0 : i32
        %dma_start3A_221 = tpu.memref_slice %arg12[%run_scoped3A_217, %dma_start3A_219, %dma_start3A_220] : memref<2x64x128xf32, #tpu.memory_space<vmem>> -> memref<1x8x128xf32, #tpu.memory_space<vmem>>
        %dma_start3A_222 = tpu.memref_squeeze %dma_start3A_221 : memref<1x8x128xf32, #tpu.memory_space<vmem>> -> memref<8x128xf32, #tpu.memory_space<vmem>>
        %dma_start3A_223 = arith.constant 0 : i32
        %dma_start3A_224 = tpu.memref_slice %arg15[%mul3A_216, %dma_start3A_223] : memref<80x128xf32, #tpu.memory_space<vmem_shared>> -> memref<8x128xf32, #tpu.memory_space<vmem_shared>>
        %dma_start3A_225 = arith.constant 0 : i32
        %dma_start3A_226 = tpu.memref_slice %arg15[%mul3A_216, %dma_start3A_225] : memref<80x128xf32, #tpu.memory_space<vmem_shared>> -> memref<8x128xf32, #tpu.memory_space<vmem_shared>>
        %dma_start3A_227 = arith.constant 0 : i32
        %dma_start3A_228 = arith.constant 0 : i32
        %dma_start3A_229 = tpu.memref_slice %arg12[%run_scoped3A_217, %dma_start3A_227, %dma_start3A_228] : memref<2x64x128xf32, #tpu.memory_space<vmem>> -> memref<1x8x128xf32, #tpu.memory_space<vmem>>
        %dma_start3A_230 = tpu.memref_squeeze %dma_start3A_229 : memref<1x8x128xf32, #tpu.memory_space<vmem>> -> memref<8x128xf32, #tpu.memory_space<vmem>>
        tpu.enqueue_dma source(%dma_start3A_230 : memref<8x128xf32, #tpu.memory_space<vmem>>) target(%dma_start3A_226 : memref<8x128xf32, #tpu.memory_space<vmem_shared>>) target_semaphore(%run_scoped3A_218 : memref<!tpu.dma_semaphore, #tpu.memory_space<semaphore_mem>>)
        %dma_wait3A_231 = arith.constant 0 : i32
        %dma_wait3A_232 = arith.constant 0 : i32
        %dma_wait3A_233 = tpu.memref_slice %arg12[%run_scoped3A_217, %dma_wait3A_231, %dma_wait3A_232] : memref<2x64x128xf32, #tpu.memory_space<vmem>> -> memref<1x8x128xf32, #tpu.memory_space<vmem>>
        %dma_wait3A_234 = tpu.memref_squeeze %dma_wait3A_233 : memref<1x8x128xf32, #tpu.memory_space<vmem>> -> memref<8x128xf32, #tpu.memory_space<vmem>>
        %dma_wait3A_235 = arith.constant 0 : i32
        %dma_wait3A_236 = tpu.memref_slice %arg15[%mul3A_216, %dma_wait3A_235] : memref<80x128xf32, #tpu.memory_space<vmem_shared>> -> memref<8x128xf32, #tpu.memory_space<vmem_shared>>
        %dma_wait3A_237 = arith.constant 0 : i32
        %dma_wait3A_238 = tpu.memref_slice %arg15[%mul3A_216, %dma_wait3A_237] : memref<80x128xf32, #tpu.memory_space<vmem_shared>> -> memref<8x128xf32, #tpu.memory_space<vmem_shared>>
        %dma_wait3A_239 = arith.constant 0 : i32
        %dma_wait3A_240 = arith.constant 0 : i32
        %dma_wait3A_241 = tpu.memref_slice %arg12[%run_scoped3A_217, %dma_wait3A_239, %dma_wait3A_240] : memref<2x64x128xf32, #tpu.memory_space<vmem>> -> memref<1x8x128xf32, #tpu.memory_space<vmem>>
        %dma_wait3A_242 = tpu.memref_squeeze %dma_wait3A_241 : memref<1x8x128xf32, #tpu.memory_space<vmem>> -> memref<8x128xf32, #tpu.memory_space<vmem>>
        tpu.wait_dma2 semaphore(%run_scoped3A_218 : memref<!tpu.dma_semaphore, #tpu.memory_space<semaphore_mem>>) src(%dma_wait3A_242 : memref<8x128xf32, #tpu.memory_space<vmem>>) dst(%dma_wait3A_238 : memref<8x128xf32, #tpu.memory_space<vmem_shared>>)
        tpu.yield
      }) : () -> ()
    }
    %barrier3A = arith.constant 0 : index
    tpu.barrier barrier_id(%barrier3A)
    %run_scoped3A = arith.constant 0 : i32
    %run_scoped3A_38 = arith.constant 0 : i32
    "tpu.region"() ({
      %run_scoped3A_212 = tpu.sem_alloc : memref<!tpu.dma_semaphore, #tpu.memory_space<semaphore_mem>>
      %dma_start3A_213 = arith.constant 0 : i32
      %dma_start3A_214 = tpu.memref_slice %arg8[%run_scoped3A_38, %dma_start3A_213] : memref<2x64xi32, #tpu.memory_space<vmem>> -> memref<1x64xi32, #tpu.memory_space<vmem>>
      %dma_start3A_215 = tpu.memref_squeeze %dma_start3A_214 : memref<1x64xi32, #tpu.memory_space<vmem>> -> memref<64xi32, #tpu.memory_space<vmem>>
      %dma_start3A_216 = arith.constant 0 : i32
      %dma_start3A_217 = tpu.memref_slice %arg4[%add3A, %run_scoped3A, %dma_start3A_216] : memref<32x158x64xi32, #tpu.memory_space<hbm>> -> memref<1x1x64xi32, #tpu.memory_space<hbm>>
      %dma_start3A_218 = tpu.memref_squeeze %dma_start3A_217 : memref<1x1x64xi32, #tpu.memory_space<hbm>> -> memref<64xi32, #tpu.memory_space<hbm>>
      %dma_start3A_219 = arith.constant 0 : i32
      %dma_start3A_220 = tpu.memref_slice %arg8[%run_scoped3A_38, %dma_start3A_219] : memref<2x64xi32, #tpu.memory_space<vmem>> -> memref<1x64xi32, #tpu.memory_space<vmem>>
      %dma_start3A_221 = tpu.memref_squeeze %dma_start3A_220 : memref<1x64xi32, #tpu.memory_space<vmem>> -> memref<64xi32, #tpu.memory_space<vmem>>
      %dma_start3A_222 = arith.constant 0 : i32
      %dma_start3A_223 = tpu.memref_slice %arg4[%add3A, %run_scoped3A, %dma_start3A_222] : memref<32x158x64xi32, #tpu.memory_space<hbm>> -> memref<1x1x64xi32, #tpu.memory_space<hbm>>
      %dma_start3A_224 = tpu.memref_squeeze %dma_start3A_223 : memref<1x1x64xi32, #tpu.memory_space<hbm>> -> memref<64xi32, #tpu.memory_space<hbm>>
      tpu.enqueue_dma source(%dma_start3A_224 : memref<64xi32, #tpu.memory_space<hbm>>) target(%dma_start3A_221 : memref<64xi32, #tpu.memory_space<vmem>>) target_semaphore(%run_scoped3A_212 : memref<!tpu.dma_semaphore, #tpu.memory_space<semaphore_mem>>)
      %dma_wait3A_225 = arith.constant 0 : i32
      %dma_wait3A_226 = tpu.memref_slice %arg8[%run_scoped3A_38, %dma_wait3A_225] : memref<2x64xi32, #tpu.memory_space<vmem>> -> memref<1x64xi32, #tpu.memory_space<vmem>>
      %dma_wait3A_227 = tpu.memref_squeeze %dma_wait3A_226 : memref<1x64xi32, #tpu.memory_space<vmem>> -> memref<64xi32, #tpu.memory_space<vmem>>
      %dma_wait3A_228 = arith.constant 0 : i32
      %dma_wait3A_229 = tpu.memref_slice %arg4[%add3A, %run_scoped3A, %dma_wait3A_228] : memref<32x158x64xi32, #tpu.memory_space<hbm>> -> memref<1x1x64xi32, #tpu.memory_space<hbm>>
      %dma_wait3A_230 = tpu.memref_squeeze %dma_wait3A_229 : memref<1x1x64xi32, #tpu.memory_space<hbm>> -> memref<64xi32, #tpu.memory_space<hbm>>
      %dma_wait3A_231 = arith.constant 0 : i32
      %dma_wait3A_232 = tpu.memref_slice %arg8[%run_scoped3A_38, %dma_wait3A_231] : memref<2x64xi32, #tpu.memory_space<vmem>> -> memref<1x64xi32, #tpu.memory_space<vmem>>
      %dma_wait3A_233 = tpu.memref_squeeze %dma_wait3A_232 : memref<1x64xi32, #tpu.memory_space<vmem>> -> memref<64xi32, #tpu.memory_space<vmem>>
      %dma_wait3A_234 = arith.constant 0 : i32
      %dma_wait3A_235 = tpu.memref_slice %arg4[%add3A, %run_scoped3A, %dma_wait3A_234] : memref<32x158x64xi32, #tpu.memory_space<hbm>> -> memref<1x1x64xi32, #tpu.memory_space<hbm>>
      %dma_wait3A_236 = tpu.memref_squeeze %dma_wait3A_235 : memref<1x1x64xi32, #tpu.memory_space<hbm>> -> memref<64xi32, #tpu.memory_space<hbm>>
      tpu.wait_dma2 semaphore(%run_scoped3A_212 : memref<!tpu.dma_semaphore, #tpu.memory_space<semaphore_mem>>) src(%dma_wait3A_236 : memref<64xi32, #tpu.memory_space<hbm>>) dst(%dma_wait3A_233 : memref<64xi32, #tpu.memory_space<vmem>>)
      tpu.yield
    }) : () -> ()
    %run_scoped3A_39 = arith.constant 0 : i32
    %run_scoped3A_40 = arith.constant 0 : i32
    "tpu.region"() ({
      %run_scoped3A_212 = tpu.sem_alloc : memref<!tpu.dma_semaphore, #tpu.memory_space<semaphore_mem>>
      %dma_start3A_213 = arith.constant 0 : i32
      %dma_start3A_214 = tpu.memref_slice %arg9[%run_scoped3A_40, %dma_start3A_213] : memref<2x64xi32, #tpu.memory_space<vmem>> -> memref<1x64xi32, #tpu.memory_space<vmem>>
      %dma_start3A_215 = tpu.memref_squeeze %dma_start3A_214 : memref<1x64xi32, #tpu.memory_space<vmem>> -> memref<64xi32, #tpu.memory_space<vmem>>
      %dma_start3A_216 = arith.constant 0 : i32
      %dma_start3A_217 = tpu.memref_slice %arg5[%add3A, %run_scoped3A_39, %dma_start3A_216] : memref<32x158x64xi32, #tpu.memory_space<hbm>> -> memref<1x1x64xi32, #tpu.memory_space<hbm>>
      %dma_start3A_218 = tpu.memref_squeeze %dma_start3A_217 : memref<1x1x64xi32, #tpu.memory_space<hbm>> -> memref<64xi32, #tpu.memory_space<hbm>>
      %dma_start3A_219 = arith.constant 0 : i32
      %dma_start3A_220 = tpu.memref_slice %arg9[%run_scoped3A_40, %dma_start3A_219] : memref<2x64xi32, #tpu.memory_space<vmem>> -> memref<1x64xi32, #tpu.memory_space<vmem>>
      %dma_start3A_221 = tpu.memref_squeeze %dma_start3A_220 : memref<1x64xi32, #tpu.memory_space<vmem>> -> memref<64xi32, #tpu.memory_space<vmem>>
      %dma_start3A_222 = arith.constant 0 : i32
      %dma_start3A_223 = tpu.memref_slice %arg5[%add3A, %run_scoped3A_39, %dma_start3A_222] : memref<32x158x64xi32, #tpu.memory_space<hbm>> -> memref<1x1x64xi32, #tpu.memory_space<hbm>>
      %dma_start3A_224 = tpu.memref_squeeze %dma_start3A_223 : memref<1x1x64xi32, #tpu.memory_space<hbm>> -> memref<64xi32, #tpu.memory_space<hbm>>
      tpu.enqueue_dma source(%dma_start3A_224 : memref<64xi32, #tpu.memory_space<hbm>>) target(%dma_start3A_221 : memref<64xi32, #tpu.memory_space<vmem>>) target_semaphore(%run_scoped3A_212 : memref<!tpu.dma_semaphore, #tpu.memory_space<semaphore_mem>>)
      %dma_wait3A_225 = arith.constant 0 : i32
      %dma_wait3A_226 = tpu.memref_slice %arg9[%run_scoped3A_40, %dma_wait3A_225] : memref<2x64xi32, #tpu.memory_space<vmem>> -> memref<1x64xi32, #tpu.memory_space<vmem>>
      %dma_wait3A_227 = tpu.memref_squeeze %dma_wait3A_226 : memref<1x64xi32, #tpu.memory_space<vmem>> -> memref<64xi32, #tpu.memory_space<vmem>>
      %dma_wait3A_228 = arith.constant 0 : i32
      %dma_wait3A_229 = tpu.memref_slice %arg5[%add3A, %run_scoped3A_39, %dma_wait3A_228] : memref<32x158x64xi32, #tpu.memory_space<hbm>> -> memref<1x1x64xi32, #tpu.memory_space<hbm>>
      %dma_wait3A_230 = tpu.memref_squeeze %dma_wait3A_229 : memref<1x1x64xi32, #tpu.memory_space<hbm>> -> memref<64xi32, #tpu.memory_space<hbm>>
      %dma_wait3A_231 = arith.constant 0 : i32
      %dma_wait3A_232 = tpu.memref_slice %arg9[%run_scoped3A_40, %dma_wait3A_231] : memref<2x64xi32, #tpu.memory_space<vmem>> -> memref<1x64xi32, #tpu.memory_space<vmem>>
      %dma_wait3A_233 = tpu.memref_squeeze %dma_wait3A_232 : memref<1x64xi32, #tpu.memory_space<vmem>> -> memref<64xi32, #tpu.memory_space<vmem>>
      %dma_wait3A_234 = arith.constant 0 : i32
      %dma_wait3A_235 = tpu.memref_slice %arg5[%add3A, %run_scoped3A_39, %dma_wait3A_234] : memref<32x158x64xi32, #tpu.memory_space<hbm>> -> memref<1x1x64xi32, #tpu.memory_space<hbm>>
      %dma_wait3A_236 = tpu.memref_squeeze %dma_wait3A_235 : memref<1x1x64xi32, #tpu.memory_space<hbm>> -> memref<64xi32, #tpu.memory_space<hbm>>
      tpu.wait_dma2 semaphore(%run_scoped3A_212 : memref<!tpu.dma_semaphore, #tpu.memory_space<semaphore_mem>>) src(%dma_wait3A_236 : memref<64xi32, #tpu.memory_space<hbm>>) dst(%dma_wait3A_233 : memref<64xi32, #tpu.memory_space<vmem>>)
      tpu.yield
    }) : () -> ()
    %dma_start3A = arith.constant 0 : i32
    %dma_start3A_41 = arith.constant 0 : i32
    %dma_start3A_42 = arith.constant 0 : i32
    %dma_start3A_43 = arith.constant 0 : i32
    %dma_start3A_44 = tpu.memref_slice %arg12[%dma_start3A_41, %dma_start3A_42, %dma_start3A_43] : memref<2x64x128xf32, #tpu.memory_space<vmem>> -> memref<1x64x128xf32, #tpu.memory_space<vmem>>
    %dma_start3A_45 = tpu.memref_squeeze %dma_start3A_44 : memref<1x64x128xf32, #tpu.memory_space<vmem>> -> memref<64x128xf32, #tpu.memory_space<vmem>>
    %dma_start3A_46 = arith.constant 0 : i32
    %dma_start3A_47 = tpu.memref_slice %arg9[%dma_start3A, %dma_start3A_46] : memref<2x64xi32, #tpu.memory_space<vmem>> -> memref<1x64xi32, #tpu.memory_space<vmem>>
    %dma_start3A_48 = tpu.memref_squeeze %dma_start3A_47 : memref<1x64xi32, #tpu.memory_space<vmem>> -> memref<64xi32, #tpu.memory_space<vmem>>
    %dma_start3A_49 = arith.constant 0 : i32
    %dma_start3A_50 = arith.constant 0 : i32
    %dma_start3A_51 = tpu.memref_slice %arg2[%dma_start3A_49, %dma_start3A_50] : memref<10000x128xf32, #tpu.memory_space<hbm>> -> memref<10000x128xf32, #tpu.memory_space<hbm>>
    tpu.enqueue_indirect_dma source(%dma_start3A_51 : memref<10000x128xf32, #tpu.memory_space<hbm>>) target(%dma_start3A_45 : memref<64x128xf32, #tpu.memory_space<vmem>>) offsets(%dma_start3A_48 : memref<64xi32, #tpu.memory_space<vmem>>) semaphore(%arg16 : memref<!tpu.dma_semaphore, #tpu.memory_space<semaphore_mem>>)
    %get3A = arith.constant 0 : i32
    %get3A_52 = arith.index_cast %get3A : i32 to index
    %get3A_53 = arith.constant 0 : index
    %get3A_54 = tpu.vector_load %arg8[%get3A_52, %get3A_53] {strides = array<i32>} : memref<2x64xi32, #tpu.memory_space<vmem>>, vector<1x16xi32>,
    %get3A_55 = vector.shape_cast %get3A_54 : vector<1x16xi32> to vector<16xi32>
    %shift_right_logical3A = arith.constant 7 : i32
    %shift_right_logical3A_56 = vector.broadcast %shift_right_logical3A : i32 to vector<16xi32>
    %shift_right_logical3A_57 = arith.shrui %get3A_55, %shift_right_logical3A_56 : vector<16xi32>
    %swap3A = arith.constant 0 : i32
    %swap3A_58 = arith.index_cast %swap3A : i32 to index
    %swap3A_59 = arith.constant 0 : index
    %swap3A_60 = tpu.vector_load %arg10[%swap3A_58, %swap3A_59] {strides = array<i32>} : memref<2x64xi32, #tpu.memory_space<vmem>>, vector<1x16xi32>,
    %swap3A_61 = vector.shape_cast %swap3A_60 : vector<1x16xi32> to vector<16xi32>
    %swap3A_62 = vector.shape_cast %shift_right_logical3A_57 : vector<16xi32> to vector<1x16xi32>
    tpu.vector_store %arg10[%swap3A_58, %swap3A_59], %swap3A_62 {strides = array<i32>} : memref<2x64xi32, #tpu.memory_space<vmem>>, vector<1x16xi32>,
    %and3A = arith.constant 127 : i32
    %and3A_63 = vector.broadcast %and3A : i32 to vector<16xi32>
    %and3A_64 = arith.andi %get3A_55, %and3A_63 : vector<16xi32>
    %swap3A_65 = arith.constant 0 : i32
    %swap3A_66 = arith.index_cast %swap3A_65 : i32 to index
    %swap3A_67 = arith.constant 0 : index
    %swap3A_68 = tpu.vector_load %arg11[%swap3A_66, %swap3A_67] {strides = array<i32>} : memref<2x64xi32, #tpu.memory_space<vmem>>, vector<1x16xi32>,
    %swap3A_69 = vector.shape_cast %swap3A_68 : vector<1x16xi32> to vector<16xi32>
    %swap3A_70 = vector.shape_cast %and3A_64 : vector<16xi32> to vector<1x16xi32>
    tpu.vector_store %arg11[%swap3A_66, %swap3A_67], %swap3A_70 {strides = array<i32>} : memref<2x64xi32, #tpu.memory_space<vmem>>, vector<1x16xi32>,
    %get3A_71 = arith.constant 0 : i32
    %get3A_72 = arith.index_cast %get3A_71 : i32 to index
    %get3A_73 = arith.constant 16 : index
    %get3A_74 = tpu.vector_load %arg8[%get3A_72, %get3A_73] {strides = array<i32>} : memref<2x64xi32, #tpu.memory_space<vmem>>, vector<1x16xi32>,
    %get3A_75 = vector.shape_cast %get3A_74 : vector<1x16xi32> to vector<16xi32>
    %shift_right_logical3A_76 = arith.constant 7 : i32
    %shift_right_logical3A_77 = vector.broadcast %shift_right_logical3A_76 : i32 to vector<16xi32>
    %shift_right_logical3A_78 = arith.shrui %get3A_75, %shift_right_logical3A_77 : vector<16xi32>
    %swap3A_79 = arith.constant 0 : i32
    %swap3A_80 = arith.index_cast %swap3A_79 : i32 to index
    %swap3A_81 = arith.constant 16 : index
    %swap3A_82 = tpu.vector_load %arg10[%swap3A_80, %swap3A_81] {strides = array<i32>} : memref<2x64xi32, #tpu.memory_space<vmem>>, vector<1x16xi32>,
    %swap3A_83 = vector.shape_cast %swap3A_82 : vector<1x16xi32> to vector<16xi32>
    %swap3A_84 = vector.shape_cast %shift_right_logical3A_78 : vector<16xi32> to vector<1x16xi32>
    tpu.vector_store %arg10[%swap3A_80, %swap3A_81], %swap3A_84 {strides = array<i32>} : memref<2x64xi32, #tpu.memory_space<vmem>>, vector<1x16xi32>,
    %and3A_85 = arith.constant 127 : i32
    %and3A_86 = vector.broadcast %and3A_85 : i32 to vector<16xi32>
    %and3A_87 = arith.andi %get3A_75, %and3A_86 : vector<16xi32>
    %swap3A_88 = arith.constant 0 : i32
    %swap3A_89 = arith.index_cast %swap3A_88 : i32 to index
    %swap3A_90 = arith.constant 16 : index
    %swap3A_91 = tpu.vector_load %arg11[%swap3A_89, %swap3A_90] {strides = array<i32>} : memref<2x64xi32, #tpu.memory_space<vmem>>, vector<1x16xi32>,
    %swap3A_92 = vector.shape_cast %swap3A_91 : vector<1x16xi32> to vector<16xi32>
    %swap3A_93 = vector.shape_cast %and3A_87 : vector<16xi32> to vector<1x16xi32>
    tpu.vector_store %arg11[%swap3A_89, %swap3A_90], %swap3A_93 {strides = array<i32>} : memref<2x64xi32, #tpu.memory_space<vmem>>, vector<1x16xi32>,
    %get3A_94 = arith.constant 0 : i32
    %get3A_95 = arith.index_cast %get3A_94 : i32 to index
    %get3A_96 = arith.constant 32 : index
    %get3A_97 = tpu.vector_load %arg8[%get3A_95, %get3A_96] {strides = array<i32>} : memref<2x64xi32, #tpu.memory_space<vmem>>, vector<1x16xi32>,
    %get3A_98 = vector.shape_cast %get3A_97 : vector<1x16xi32> to vector<16xi32>
    %shift_right_logical3A_99 = arith.constant 7 : i32
    %shift_right_logical3A_100 = vector.broadcast %shift_right_logical3A_99 : i32 to vector<16xi32>
    %shift_right_logical3A_101 = arith.shrui %get3A_98, %shift_right_logical3A_100 : vector<16xi32>
    %swap3A_102 = arith.constant 0 : i32
    %swap3A_103 = arith.index_cast %swap3A_102 : i32 to index
    %swap3A_104 = arith.constant 32 : index
    %swap3A_105 = tpu.vector_load %arg10[%swap3A_103, %swap3A_104] {strides = array<i32>} : memref<2x64xi32, #tpu.memory_space<vmem>>, vector<1x16xi32>,
    %swap3A_106 = vector.shape_cast %swap3A_105 : vector<1x16xi32> to vector<16xi32>
    %swap3A_107 = vector.shape_cast %shift_right_logical3A_101 : vector<16xi32> to vector<1x16xi32>
    tpu.vector_store %arg10[%swap3A_103, %swap3A_104], %swap3A_107 {strides = array<i32>} : memref<2x64xi32, #tpu.memory_space<vmem>>, vector<1x16xi32>,
    %and3A_108 = arith.constant 127 : i32
    %and3A_109 = vector.broadcast %and3A_108 : i32 to vector<16xi32>
    %and3A_110 = arith.andi %get3A_98, %and3A_109 : vector<16xi32>
    %swap3A_111 = arith.constant 0 : i32
    %swap3A_112 = arith.index_cast %swap3A_111 : i32 to index
    %swap3A_113 = arith.constant 32 : index
    %swap3A_114 = tpu.vector_load %arg11[%swap3A_112, %swap3A_113] {strides = array<i32>} : memref<2x64xi32, #tpu.memory_space<vmem>>, vector<1x16xi32>,
    %swap3A_115 = vector.shape_cast %swap3A_114 : vector<1x16xi32> to vector<16xi32>
    %swap3A_116 = vector.shape_cast %and3A_110 : vector<16xi32> to vector<1x16xi32>
    tpu.vector_store %arg11[%swap3A_112, %swap3A_113], %swap3A_116 {strides = array<i32>} : memref<2x64xi32, #tpu.memory_space<vmem>>, vector<1x16xi32>,
    %get3A_117 = arith.constant 0 : i32
    %get3A_118 = arith.index_cast %get3A_117 : i32 to index
    %get3A_119 = arith.constant 48 : index
    %get3A_120 = tpu.vector_load %arg8[%get3A_118, %get3A_119] {strides = array<i32>} : memref<2x64xi32, #tpu.memory_space<vmem>>, vector<1x16xi32>,
    %get3A_121 = vector.shape_cast %get3A_120 : vector<1x16xi32> to vector<16xi32>
    %shift_right_logical3A_122 = arith.constant 7 : i32
    %shift_right_logical3A_123 = vector.broadcast %shift_right_logical3A_122 : i32 to vector<16xi32>
    %shift_right_logical3A_124 = arith.shrui %get3A_121, %shift_right_logical3A_123 : vector<16xi32>
    %swap3A_125 = arith.constant 0 : i32
    %swap3A_126 = arith.index_cast %swap3A_125 : i32 to index
    %swap3A_127 = arith.constant 48 : index
    %swap3A_128 = tpu.vector_load %arg10[%swap3A_126, %swap3A_127] {strides = array<i32>} : memref<2x64xi32, #tpu.memory_space<vmem>>, vector<1x16xi32>,
    %swap3A_129 = vector.shape_cast %swap3A_128 : vector<1x16xi32> to vector<16xi32>
    %swap3A_130 = vector.shape_cast %shift_right_logical3A_124 : vector<16xi32> to vector<1x16xi32>
    tpu.vector_store %arg10[%swap3A_126, %swap3A_127], %swap3A_130 {strides = array<i32>} : memref<2x64xi32, #tpu.memory_space<vmem>>, vector<1x16xi32>,
    %and3A_131 = arith.constant 127 : i32
    %and3A_132 = vector.broadcast %and3A_131 : i32 to vector<16xi32>
    %and3A_133 = arith.andi %get3A_121, %and3A_132 : vector<16xi32>
    %swap3A_134 = arith.constant 0 : i32
    %swap3A_135 = arith.index_cast %swap3A_134 : i32 to index
    %swap3A_136 = arith.constant 48 : index
    %swap3A_137 = tpu.vector_load %arg11[%swap3A_135, %swap3A_136] {strides = array<i32>} : memref<2x64xi32, #tpu.memory_space<vmem>>, vector<1x16xi32>,
    %swap3A_138 = vector.shape_cast %swap3A_137 : vector<1x16xi32> to vector<16xi32>
    %swap3A_139 = vector.shape_cast %and3A_133 : vector<16xi32> to vector<1x16xi32>
    tpu.vector_store %arg11[%swap3A_135, %swap3A_136], %swap3A_139 {strides = array<i32>} : memref<2x64xi32, #tpu.memory_space<vmem>>, vector<1x16xi32>,
    %dma_start3A_140 = arith.constant 0 : i32
    %dma_start3A_141 = arith.constant 0 : i32
    %dma_start3A_142 = tpu.memref_slice %arg11[%dma_start3A_140, %dma_start3A_141] : memref<2x64xi32, #tpu.memory_space<vmem>> -> memref<1x64xi32, #tpu.memory_space<vmem>>
    %dma_start3A_143 = tpu.memref_squeeze %dma_start3A_142 : memref<1x64xi32, #tpu.memory_space<vmem>> -> memref<64xi32, #tpu.memory_space<vmem>>
    %dma_start3A_144 = arith.constant 0 : i32
    %dma_start3A_145 = arith.constant 0 : i32
    %dma_start3A_146 = tpu.memref_slice %arg3[%dma_start3A_144, %dma_start3A_145] : memref<128x128xf32, #tpu.memory_space<hbm>> -> memref<128x128xf32, #tpu.memory_space<hbm>>
    tpu.enqueue_indirect_dma source(%dma_start3A_146 : memref<128x128xf32, #tpu.memory_space<hbm>>) target(%arg13 : memref<64x128xf32, #tpu.memory_space<vmem>>) offsets(%dma_start3A_143 : memref<64xi32, #tpu.memory_space<vmem>>) semaphore(%arg18 : memref<!tpu.dma_semaphore, #tpu.memory_space<semaphore_mem>>)
    %scan3A_147 = arith.constant 0 : i32
    %scan3A_148 = arith.constant 79 : i32
    %scan3A_149 = arith.addi %scan3A_147, %scan3A_148 : i32
    %scan3A_150 = arith.constant 1 : i32
    scf.for %scan3A_212 = %scan3A_147 to %scan3A_149 step %scan3A_150  : i32 {
      %mul3A_213 = arith.constant 1 : i32
      %mul3A_214 = arith.muli %scan3A_212, %mul3A_213 : i32
      %add3A_215 = arith.constant 0 : i32
      %add3A_216 = arith.addi %add3A_215, %mul3A_214 : i32
      %mul3A_217 = arith.constant 2 : i32
      %mul3A_218 = arith.muli %add3A_216, %mul3A_217 : i32
      %add3A_219 = arith.constant 0 : i32
      %add3A_220 = arith.addi %mul3A_218, %add3A_219 : i32
      %add3A_221 = arith.constant 1 : i32
      %add3A_222 = arith.addi %add3A_220, %add3A_221 : i32
      %lt3A = arith.constant 158 : i32
      %lt3A_223 = arith.cmpi slt, %add3A_222, %lt3A : i32
      %convert_element_type3A = arith.extui %lt3A_223 : i1 to i32
      %cond3A = arith.constant 0 : i32
      %cond3A_224 = arith.cmpi ne, %convert_element_type3A, %cond3A : i32
      scf.if %cond3A_224 {
        %ge3A = arith.constant 1 : i32
        %ge3A_314 = arith.cmpi sge, %add3A_220, %ge3A : i32
        %convert_element_type3A_315 = arith.extui %ge3A_314 : i1 to i32
        %cond3A_316 = arith.constant 0 : i32
        %cond3A_317 = arith.cmpi ne, %convert_element_type3A_315, %cond3A_316 : i32
        scf.if %cond3A_317 {
          %dma_wait3A_426 = arith.constant 1 : i32
          %dma_wait3A_427 = arith.constant 1 : i32
          %dma_wait3A_428 = arith.constant 0 : i32
          %dma_wait3A_429 = arith.constant 0 : i32
          %dma_wait3A_430 = tpu.memref_slice %arg12[%dma_wait3A_426, %dma_wait3A_428, %dma_wait3A_429] : memref<2x64x128xf32, #tpu.memory_space<vmem>> -> memref<1x64x128xf32, #tpu.memory_space<vmem>>
          %dma_wait3A_431 = tpu.memref_squeeze %dma_wait3A_430 : memref<1x64x128xf32, #tpu.memory_space<vmem>> -> memref<64x128xf32, #tpu.memory_space<vmem>>
          %dma_wait3A_432 = arith.constant 0 : i32
          %dma_wait3A_433 = tpu.memref_slice %arg8[%dma_wait3A_427, %dma_wait3A_432] : memref<2x64xi32, #tpu.memory_space<vmem>> -> memref<1x64xi32, #tpu.memory_space<vmem>>
          %dma_wait3A_434 = tpu.memref_squeeze %dma_wait3A_433 : memref<1x64xi32, #tpu.memory_space<vmem>> -> memref<64xi32, #tpu.memory_space<vmem>>
          %dma_wait3A_435 = arith.constant 0 : i32
          %dma_wait3A_436 = arith.constant 0 : i32
          %dma_wait3A_437 = tpu.memref_slice %arg14[%dma_wait3A_435, %dma_wait3A_436] : memref<10048x128xf32, #tpu.memory_space<vmem_shared>> -> memref<10048x128xf32, #tpu.memory_space<vmem_shared>>
          tpu.wait_indirect_dma semaphore(%arg20 : memref<!tpu.dma_semaphore, #tpu.memory_space<semaphore_mem>>) src(%dma_wait3A_431 : memref<64x128xf32, #tpu.memory_space<vmem>>) dst(%dma_wait3A_437 : memref<10048x128xf32, #tpu.memory_space<vmem_shared>>)
        } else {
        }
        %add3A_318 = arith.constant 1 : i32
        %add3A_319 = arith.addi %add3A_220, %add3A_318 : i32
        %run_scoped3A_320 = arith.constant 1 : i32
        "tpu.region"() ({
          %run_scoped3A_426 = tpu.sem_alloc : memref<!tpu.dma_semaphore, #tpu.memory_space<semaphore_mem>>
          %dma_start3A_427 = arith.constant 0 : i32
          %dma_start3A_428 = tpu.memref_slice %arg8[%run_scoped3A_320, %dma_start3A_427] : memref<2x64xi32, #tpu.memory_space<vmem>> -> memref<1x64xi32, #tpu.memory_space<vmem>>
          %dma_start3A_429 = tpu.memref_squeeze %dma_start3A_428 : memref<1x64xi32, #tpu.memory_space<vmem>> -> memref<64xi32, #tpu.memory_space<vmem>>
          %dma_start3A_430 = arith.constant 0 : i32
          %dma_start3A_431 = tpu.memref_slice %arg4[%add3A, %add3A_319, %dma_start3A_430] : memref<32x158x64xi32, #tpu.memory_space<hbm>> -> memref<1x1x64xi32, #tpu.memory_space<hbm>>
          %dma_start3A_432 = tpu.memref_squeeze %dma_start3A_431 : memref<1x1x64xi32, #tpu.memory_space<hbm>> -> memref<64xi32, #tpu.memory_space<hbm>>
          %dma_start3A_433 = arith.constant 0 : i32
          %dma_start3A_434 = tpu.memref_slice %arg8[%run_scoped3A_320, %dma_start3A_433] : memref<2x64xi32, #tpu.memory_space<vmem>> -> memref<1x64xi32, #tpu.memory_space<vmem>>
          %dma_start3A_435 = tpu.memref_squeeze %dma_start3A_434 : memref<1x64xi32, #tpu.memory_space<vmem>> -> memref<64xi32, #tpu.memory_space<vmem>>
          %dma_start3A_436 = arith.constant 0 : i32
          %dma_start3A_437 = tpu.memref_slice %arg4[%add3A, %add3A_319, %dma_start3A_436] : memref<32x158x64xi32, #tpu.memory_space<hbm>> -> memref<1x1x64xi32, #tpu.memory_space<hbm>>
          %dma_start3A_438 = tpu.memref_squeeze %dma_start3A_437 : memref<1x1x64xi32, #tpu.memory_space<hbm>> -> memref<64xi32, #tpu.memory_space<hbm>>
          tpu.enqueue_dma source(%dma_start3A_438 : memref<64xi32, #tpu.memory_space<hbm>>) target(%dma_start3A_435 : memref<64xi32, #tpu.memory_space<vmem>>) target_semaphore(%run_scoped3A_426 : memref<!tpu.dma_semaphore, #tpu.memory_space<semaphore_mem>>)
          %dma_wait3A_439 = arith.constant 0 : i32
          %dma_wait3A_440 = tpu.memref_slice %arg8[%run_scoped3A_320, %dma_wait3A_439] : memref<2x64xi32, #tpu.memory_space<vmem>> -> memref<1x64xi32, #tpu.memory_space<vmem>>
          %dma_wait3A_441 = tpu.memref_squeeze %dma_wait3A_440 : memref<1x64xi32, #tpu.memory_space<vmem>> -> memref<64xi32, #tpu.memory_space<vmem>>
          %dma_wait3A_442 = arith.constant 0 : i32
          %dma_wait3A_443 = tpu.memref_slice %arg4[%add3A, %add3A_319, %dma_wait3A_442] : memref<32x158x64xi32, #tpu.memory_space<hbm>> -> memref<1x1x64xi32, #tpu.memory_space<hbm>>
          %dma_wait3A_444 = tpu.memref_squeeze %dma_wait3A_443 : memref<1x1x64xi32, #tpu.memory_space<hbm>> -> memref<64xi32, #tpu.memory_space<hbm>>
          %dma_wait3A_445 = arith.constant 0 : i32
          %dma_wait3A_446 = tpu.memref_slice %arg8[%run_scoped3A_320, %dma_wait3A_445] : memref<2x64xi32, #tpu.memory_space<vmem>> -> memref<1x64xi32, #tpu.memory_space<vmem>>
          %dma_wait3A_447 = tpu.memref_squeeze %dma_wait3A_446 : memref<1x64xi32, #tpu.memory_space<vmem>> -> memref<64xi32, #tpu.memory_space<vmem>>
          %dma_wait3A_448 = arith.constant 0 : i32
          %dma_wait3A_449 = tpu.memref_slice %arg4[%add3A, %add3A_319, %dma_wait3A_448] : memref<32x158x64xi32, #tpu.memory_space<hbm>> -> memref<1x1x64xi32, #tpu.memory_space<hbm>>
          %dma_wait3A_450 = tpu.memref_squeeze %dma_wait3A_449 : memref<1x1x64xi32, #tpu.memory_space<hbm>> -> memref<64xi32, #tpu.memory_space<hbm>>
          tpu.wait_dma2 semaphore(%run_scoped3A_426 : memref<!tpu.dma_semaphore, #tpu.memory_space<semaphore_mem>>) src(%dma_wait3A_450 : memref<64xi32, #tpu.memory_space<hbm>>) dst(%dma_wait3A_447 : memref<64xi32, #tpu.memory_space<vmem>>)
          tpu.yield
        }) : () -> ()
        %run_scoped3A_321 = arith.constant 1 : i32
        "tpu.region"() ({
          %run_scoped3A_426 = tpu.sem_alloc : memref<!tpu.dma_semaphore, #tpu.memory_space<semaphore_mem>>
          %dma_start3A_427 = arith.constant 0 : i32
          %dma_start3A_428 = tpu.memref_slice %arg9[%run_scoped3A_321, %dma_start3A_427] : memref<2x64xi32, #tpu.memory_space<vmem>> -> memref<1x64xi32, #tpu.memory_space<vmem>>
          %dma_start3A_429 = tpu.memref_squeeze %dma_start3A_428 : memref<1x64xi32, #tpu.memory_space<vmem>> -> memref<64xi32, #tpu.memory_space<vmem>>
          %dma_start3A_430 = arith.constant 0 : i32
          %dma_start3A_431 = tpu.memref_slice %arg5[%add3A, %add3A_319, %dma_start3A_430] : memref<32x158x64xi32, #tpu.memory_space<hbm>> -> memref<1x1x64xi32, #tpu.memory_space<hbm>>
          %dma_start3A_432 = tpu.memref_squeeze %dma_start3A_431 : memref<1x1x64xi32, #tpu.memory_space<hbm>> -> memref<64xi32, #tpu.memory_space<hbm>>
          %dma_start3A_433 = arith.constant 0 : i32
          %dma_start3A_434 = tpu.memref_slice %arg9[%run_scoped3A_321, %dma_start3A_433] : memref<2x64xi32, #tpu.memory_space<vmem>> -> memref<1x64xi32, #tpu.memory_space<vmem>>
          %dma_start3A_435 = tpu.memref_squeeze %dma_start3A_434 : memref<1x64xi32, #tpu.memory_space<vmem>> -> memref<64xi32, #tpu.memory_space<vmem>>
          %dma_start3A_436 = arith.constant 0 : i32
          %dma_start3A_437 = tpu.memref_slice %arg5[%add3A, %add3A_319, %dma_start3A_436] : memref<32x158x64xi32, #tpu.memory_space<hbm>> -> memref<1x1x64xi32, #tpu.memory_space<hbm>>
          %dma_start3A_438 = tpu.memref_squeeze %dma_start3A_437 : memref<1x1x64xi32, #tpu.memory_space<hbm>> -> memref<64xi32, #tpu.memory_space<hbm>>
          tpu.enqueue_dma source(%dma_start3A_438 : memref<64xi32, #tpu.memory_space<hbm>>) target(%dma_start3A_435 : memref<64xi32, #tpu.memory_space<vmem>>) target_semaphore(%run_scoped3A_426 : memref<!tpu.dma_semaphore, #tpu.memory_space<semaphore_mem>>)
          %dma_wait3A_439 = arith.constant 0 : i32
          %dma_wait3A_440 = tpu.memref_slice %arg9[%run_scoped3A_321, %dma_wait3A_439] : memref<2x64xi32, #tpu.memory_space<vmem>> -> memref<1x64xi32, #tpu.memory_space<vmem>>
          %dma_wait3A_441 = tpu.memref_squeeze %dma_wait3A_440 : memref<1x64xi32, #tpu.memory_space<vmem>> -> memref<64xi32, #tpu.memory_space<vmem>>
          %dma_wait3A_442 = arith.constant 0 : i32
          %dma_wait3A_443 = tpu.memref_slice %arg5[%add3A, %add3A_319, %dma_wait3A_442] : memref<32x158x64xi32, #tpu.memory_space<hbm>> -> memref<1x1x64xi32, #tpu.memory_space<hbm>>
          %dma_wait3A_444 = tpu.memref_squeeze %dma_wait3A_443 : memref<1x1x64xi32, #tpu.memory_space<hbm>> -> memref<64xi32, #tpu.memory_space<hbm>>
          %dma_wait3A_445 = arith.constant 0 : i32
          %dma_wait3A_446 = tpu.memref_slice %arg9[%run_scoped3A_321, %dma_wait3A_445] : memref<2x64xi32, #tpu.memory_space<vmem>> -> memref<1x64xi32, #tpu.memory_space<vmem>>
          %dma_wait3A_447 = tpu.memref_squeeze %dma_wait3A_446 : memref<1x64xi32, #tpu.memory_space<vmem>> -> memref<64xi32, #tpu.memory_space<vmem>>
          %dma_wait3A_448 = arith.constant 0 : i32
          %dma_wait3A_449 = tpu.memref_slice %arg5[%add3A, %add3A_319, %dma_wait3A_448] : memref<32x158x64xi32, #tpu.memory_space<hbm>> -> memref<1x1x64xi32, #tpu.memory_space<hbm>>
          %dma_wait3A_450 = tpu.memref_squeeze %dma_wait3A_449 : memref<1x1x64xi32, #tpu.memory_space<hbm>> -> memref<64xi32, #tpu.memory_space<hbm>>
          tpu.wait_dma2 semaphore(%run_scoped3A_426 : memref<!tpu.dma_semaphore, #tpu.memory_space<semaphore_mem>>) src(%dma_wait3A_450 : memref<64xi32, #tpu.memory_space<hbm>>) dst(%dma_wait3A_447 : memref<64xi32, #tpu.memory_space<vmem>>)
          tpu.yield
        }) : () -> ()
        %dma_start3A_322 = arith.constant 1 : i32
        %dma_start3A_323 = arith.constant 1 : i32
        %dma_start3A_324 = arith.constant 0 : i32
        %dma_start3A_325 = arith.constant 0 : i32
        %dma_start3A_326 = tpu.memref_slice %arg12[%dma_start3A_323, %dma_start3A_324, %dma_start3A_325] : memref<2x64x128xf32, #tpu.memory_space<vmem>> -> memref<1x64x128xf32, #tpu.memory_space<vmem>>
        %dma_start3A_327 = tpu.memref_squeeze %dma_start3A_326 : memref<1x64x128xf32, #tpu.memory_space<vmem>> -> memref<64x128xf32, #tpu.memory_space<vmem>>
        %dma_start3A_328 = arith.constant 0 : i32
        %dma_start3A_329 = tpu.memref_slice %arg9[%dma_start3A_322, %dma_start3A_328] : memref<2x64xi32, #tpu.memory_space<vmem>> -> memref<1x64xi32, #tpu.memory_space<vmem>>
        %dma_start3A_330 = tpu.memref_squeeze %dma_start3A_329 : memref<1x64xi32, #tpu.memory_space<vmem>> -> memref<64xi32, #tpu.memory_space<vmem>>
        %dma_start3A_331 = arith.constant 0 : i32
        %dma_start3A_332 = arith.constant 0 : i32
        %dma_start3A_333 = tpu.memref_slice %arg2[%dma_start3A_331, %dma_start3A_332] : memref<10000x128xf32, #tpu.memory_space<hbm>> -> memref<10000x128xf32, #tpu.memory_space<hbm>>
        tpu.enqueue_indirect_dma source(%dma_start3A_333 : memref<10000x128xf32, #tpu.memory_space<hbm>>) target(%dma_start3A_327 : memref<64x128xf32, #tpu.memory_space<vmem>>) offsets(%dma_start3A_330 : memref<64xi32, #tpu.memory_space<vmem>>) semaphore(%arg17 : memref<!tpu.dma_semaphore, #tpu.memory_space<semaphore_mem>>)
        %get3A_334 = arith.constant 1 : i32
        %get3A_335 = arith.index_cast %get3A_334 : i32 to index
        %get3A_336 = arith.constant 0 : index
        %get3A_337 = tpu.vector_load %arg8[%get3A_335, %get3A_336] {strides = array<i32>} : memref<2x64xi32, #tpu.memory_space<vmem>>, vector<1x16xi32>,
        %get3A_338 = vector.shape_cast %get3A_337 : vector<1x16xi32> to vector<16xi32>
        %shift_right_logical3A_339 = arith.constant 7 : i32
        %shift_right_logical3A_340 = vector.broadcast %shift_right_logical3A_339 : i32 to vector<16xi32>
        %shift_right_logical3A_341 = arith.shrui %get3A_338, %shift_right_logical3A_340 : vector<16xi32>
        %swap3A_342 = arith.constant 1 : i32
        %swap3A_343 = arith.index_cast %swap3A_342 : i32 to index
        %swap3A_344 = arith.constant 0 : index
        %swap3A_345 = tpu.vector_load %arg10[%swap3A_343, %swap3A_344] {strides = array<i32>} : memref<2x64xi32, #tpu.memory_space<vmem>>, vector<1x16xi32>,
        %swap3A_346 = vector.shape_cast %swap3A_345 : vector<1x16xi32> to vector<16xi32>
        %swap3A_347 = vector.shape_cast %shift_right_logical3A_341 : vector<16xi32> to vector<1x16xi32>
        tpu.vector_store %arg10[%swap3A_343, %swap3A_344], %swap3A_347 {strides = array<i32>} : memref<2x64xi32, #tpu.memory_space<vmem>>, vector<1x16xi32>,
        %and3A_348 = arith.constant 127 : i32
        %and3A_349 = vector.broadcast %and3A_348 : i32 to vector<16xi32>
        %and3A_350 = arith.andi %get3A_338, %and3A_349 : vector<16xi32>
        %swap3A_351 = arith.constant 1 : i32
        %swap3A_352 = arith.index_cast %swap3A_351 : i32 to index
        %swap3A_353 = arith.constant 0 : index
        %swap3A_354 = tpu.vector_load %arg11[%swap3A_352, %swap3A_353] {strides = array<i32>} : memref<2x64xi32, #tpu.memory_space<vmem>>, vector<1x16xi32>,
        %swap3A_355 = vector.shape_cast %swap3A_354 : vector<1x16xi32> to vector<16xi32>
        %swap3A_356 = vector.shape_cast %and3A_350 : vector<16xi32> to vector<1x16xi32>
        tpu.vector_store %arg11[%swap3A_352, %swap3A_353], %swap3A_356 {strides = array<i32>} : memref<2x64xi32, #tpu.memory_space<vmem>>, vector<1x16xi32>,
        %get3A_357 = arith.constant 1 : i32
        %get3A_358 = arith.index_cast %get3A_357 : i32 to index
        %get3A_359 = arith.constant 16 : index
        %get3A_360 = tpu.vector_load %arg8[%get3A_358, %get3A_359] {strides = array<i32>} : memref<2x64xi32, #tpu.memory_space<vmem>>, vector<1x16xi32>,
        %get3A_361 = vector.shape_cast %get3A_360 : vector<1x16xi32> to vector<16xi32>
        %shift_right_logical3A_362 = arith.constant 7 : i32
        %shift_right_logical3A_363 = vector.broadcast %shift_right_logical3A_362 : i32 to vector<16xi32>
        %shift_right_logical3A_364 = arith.shrui %get3A_361, %shift_right_logical3A_363 : vector<16xi32>
        %swap3A_365 = arith.constant 1 : i32
        %swap3A_366 = arith.index_cast %swap3A_365 : i32 to index
        %swap3A_367 = arith.constant 16 : index
        %swap3A_368 = tpu.vector_load %arg10[%swap3A_366, %swap3A_367] {strides = array<i32>} : memref<2x64xi32, #tpu.memory_space<vmem>>, vector<1x16xi32>,
        %swap3A_369 = vector.shape_cast %swap3A_368 : vector<1x16xi32> to vector<16xi32>
        %swap3A_370 = vector.shape_cast %shift_right_logical3A_364 : vector<16xi32> to vector<1x16xi32>
        tpu.vector_store %arg10[%swap3A_366, %swap3A_367], %swap3A_370 {strides = array<i32>} : memref<2x64xi32, #tpu.memory_space<vmem>>, vector<1x16xi32>,
        %and3A_371 = arith.constant 127 : i32
        %and3A_372 = vector.broadcast %and3A_371 : i32 to vector<16xi32>
        %and3A_373 = arith.andi %get3A_361, %and3A_372 : vector<16xi32>
        %swap3A_374 = arith.constant 1 : i32
        %swap3A_375 = arith.index_cast %swap3A_374 : i32 to index
        %swap3A_376 = arith.constant 16 : index
        %swap3A_377 = tpu.vector_load %arg11[%swap3A_375, %swap3A_376] {strides = array<i32>} : memref<2x64xi32, #tpu.memory_space<vmem>>, vector<1x16xi32>,
        %swap3A_378 = vector.shape_cast %swap3A_377 : vector<1x16xi32> to vector<16xi32>
        %swap3A_379 = vector.shape_cast %and3A_373 : vector<16xi32> to vector<1x16xi32>
        tpu.vector_store %arg11[%swap3A_375, %swap3A_376], %swap3A_379 {strides = array<i32>} : memref<2x64xi32, #tpu.memory_space<vmem>>, vector<1x16xi32>,
        %get3A_380 = arith.constant 1 : i32
        %get3A_381 = arith.index_cast %get3A_380 : i32 to index
        %get3A_382 = arith.constant 32 : index
        %get3A_383 = tpu.vector_load %arg8[%get3A_381, %get3A_382] {strides = array<i32>} : memref<2x64xi32, #tpu.memory_space<vmem>>, vector<1x16xi32>,
        %get3A_384 = vector.shape_cast %get3A_383 : vector<1x16xi32> to vector<16xi32>
        %shift_right_logical3A_385 = arith.constant 7 : i32
        %shift_right_logical3A_386 = vector.broadcast %shift_right_logical3A_385 : i32 to vector<16xi32>
        %shift_right_logical3A_387 = arith.shrui %get3A_384, %shift_right_logical3A_386 : vector<16xi32>
        %swap3A_388 = arith.constant 1 : i32
        %swap3A_389 = arith.index_cast %swap3A_388 : i32 to index
        %swap3A_390 = arith.constant 32 : index
        %swap3A_391 = tpu.vector_load %arg10[%swap3A_389, %swap3A_390] {strides = array<i32>} : memref<2x64xi32, #tpu.memory_space<vmem>>, vector<1x16xi32>,
        %swap3A_392 = vector.shape_cast %swap3A_391 : vector<1x16xi32> to vector<16xi32>
        %swap3A_393 = vector.shape_cast %shift_right_logical3A_387 : vector<16xi32> to vector<1x16xi32>
        tpu.vector_store %arg10[%swap3A_389, %swap3A_390], %swap3A_393 {strides = array<i32>} : memref<2x64xi32, #tpu.memory_space<vmem>>, vector<1x16xi32>,
        %and3A_394 = arith.constant 127 : i32
        %and3A_395 = vector.broadcast %and3A_394 : i32 to vector<16xi32>
        %and3A_396 = arith.andi %get3A_384, %and3A_395 : vector<16xi32>
        %swap3A_397 = arith.constant 1 : i32
        %swap3A_398 = arith.index_cast %swap3A_397 : i32 to index
        %swap3A_399 = arith.constant 32 : index
        %swap3A_400 = tpu.vector_load %arg11[%swap3A_398, %swap3A_399] {strides = array<i32>} : memref<2x64xi32, #tpu.memory_space<vmem>>, vector<1x16xi32>,
        %swap3A_401 = vector.shape_cast %swap3A_400 : vector<1x16xi32> to vector<16xi32>
        %swap3A_402 = vector.shape_cast %and3A_396 : vector<16xi32> to vector<1x16xi32>
        tpu.vector_store %arg11[%swap3A_398, %swap3A_399], %swap3A_402 {strides = array<i32>} : memref<2x64xi32, #tpu.memory_space<vmem>>, vector<1x16xi32>,
        %get3A_403 = arith.constant 1 : i32
        %get3A_404 = arith.index_cast %get3A_403 : i32 to index
        %get3A_405 = arith.constant 48 : index
        %get3A_406 = tpu.vector_load %arg8[%get3A_404, %get3A_405] {strides = array<i32>} : memref<2x64xi32, #tpu.memory_space<vmem>>, vector<1x16xi32>,
        %get3A_407 = vector.shape_cast %get3A_406 : vector<1x16xi32> to vector<16xi32>
        %shift_right_logical3A_408 = arith.constant 7 : i32
        %shift_right_logical3A_409 = vector.broadcast %shift_right_logical3A_408 : i32 to vector<16xi32>
        %shift_right_logical3A_410 = arith.shrui %get3A_407, %shift_right_logical3A_409 : vector<16xi32>
        %swap3A_411 = arith.constant 1 : i32
        %swap3A_412 = arith.index_cast %swap3A_411 : i32 to index
        %swap3A_413 = arith.constant 48 : index
        %swap3A_414 = tpu.vector_load %arg10[%swap3A_412, %swap3A_413] {strides = array<i32>} : memref<2x64xi32, #tpu.memory_space<vmem>>, vector<1x16xi32>,
        %swap3A_415 = vector.shape_cast %swap3A_414 : vector<1x16xi32> to vector<16xi32>
        %swap3A_416 = vector.shape_cast %shift_right_logical3A_410 : vector<16xi32> to vector<1x16xi32>
        tpu.vector_store %arg10[%swap3A_412, %swap3A_413], %swap3A_416 {strides = array<i32>} : memref<2x64xi32, #tpu.memory_space<vmem>>, vector<1x16xi32>,
        %and3A_417 = arith.constant 127 : i32
        %and3A_418 = vector.broadcast %and3A_417 : i32 to vector<16xi32>
        %and3A_419 = arith.andi %get3A_407, %and3A_418 : vector<16xi32>
        %swap3A_420 = arith.constant 1 : i32
        %swap3A_421 = arith.index_cast %swap3A_420 : i32 to index
        %swap3A_422 = arith.constant 48 : index
        %swap3A_423 = tpu.vector_load %arg11[%swap3A_421, %swap3A_422] {strides = array<i32>} : memref<2x64xi32, #tpu.memory_space<vmem>>, vector<1x16xi32>,
        %swap3A_424 = vector.shape_cast %swap3A_423 : vector<1x16xi32> to vector<16xi32>
        %swap3A_425 = vector.shape_cast %and3A_419 : vector<16xi32> to vector<1x16xi32>
        tpu.vector_store %arg11[%swap3A_421, %swap3A_422], %swap3A_425 {strides = array<i32>} : memref<2x64xi32, #tpu.memory_space<vmem>>, vector<1x16xi32>,
      } else {
      }
      %dma_wait3A_225 = arith.constant 0 : i32
      %dma_wait3A_226 = arith.constant 0 : i32
      %dma_wait3A_227 = arith.constant 0 : i32
      %dma_wait3A_228 = arith.constant 0 : i32
      %dma_wait3A_229 = tpu.memref_slice %arg12[%dma_wait3A_226, %dma_wait3A_227, %dma_wait3A_228] : memref<2x64x128xf32, #tpu.memory_space<vmem>> -> memref<1x64x128xf32, #tpu.memory_space<vmem>>
      %dma_wait3A_230 = tpu.memref_squeeze %dma_wait3A_229 : memref<1x64x128xf32, #tpu.memory_space<vmem>> -> memref<64x128xf32, #tpu.memory_space<vmem>>
      %dma_wait3A_231 = arith.constant 0 : i32
      %dma_wait3A_232 = tpu.memref_slice %arg9[%dma_wait3A_225, %dma_wait3A_231] : memref<2x64xi32, #tpu.memory_space<vmem>> -> memref<1x64xi32, #tpu.memory_space<vmem>>
      %dma_wait3A_233 = tpu.memref_squeeze %dma_wait3A_232 : memref<1x64xi32, #tpu.memory_space<vmem>> -> memref<64xi32, #tpu.memory_space<vmem>>
      %dma_wait3A_234 = arith.constant 0 : i32
      %dma_wait3A_235 = arith.constant 0 : i32
      %dma_wait3A_236 = tpu.memref_slice %arg2[%dma_wait3A_234, %dma_wait3A_235] : memref<10000x128xf32, #tpu.memory_space<hbm>> -> memref<10000x128xf32, #tpu.memory_space<hbm>>
      tpu.wait_indirect_dma semaphore(%arg16 : memref<!tpu.dma_semaphore, #tpu.memory_space<semaphore_mem>>) src(%dma_wait3A_236 : memref<10000x128xf32, #tpu.memory_space<hbm>>) dst(%dma_wait3A_230 : memref<64x128xf32, #tpu.memory_space<vmem>>)
      %dma_start3A_237 = arith.constant 0 : i32
      %dma_start3A_238 = arith.constant 0 : i32
      %dma_start3A_239 = arith.constant 0 : i32
      %dma_start3A_240 = arith.constant 0 : i32
      %dma_start3A_241 = tpu.memref_slice %arg12[%dma_start3A_237, %dma_start3A_239, %dma_start3A_240] : memref<2x64x128xf32, #tpu.memory_space<vmem>> -> memref<1x64x128xf32, #tpu.memory_space<vmem>>
      %dma_start3A_242 = tpu.memref_squeeze %dma_start3A_241 : memref<1x64x128xf32, #tpu.memory_space<vmem>> -> memref<64x128xf32, #tpu.memory_space<vmem>>
      %dma_start3A_243 = arith.constant 0 : i32
      %dma_start3A_244 = tpu.memref_slice %arg8[%dma_start3A_238, %dma_start3A_243] : memref<2x64xi32, #tpu.memory_space<vmem>> -> memref<1x64xi32, #tpu.memory_space<vmem>>
      %dma_start3A_245 = tpu.memref_squeeze %dma_start3A_244 : memref<1x64xi32, #tpu.memory_space<vmem>> -> memref<64xi32, #tpu.memory_space<vmem>>
      %dma_start3A_246 = arith.constant 0 : i32
      %dma_start3A_247 = arith.constant 0 : i32
      %dma_start3A_248 = tpu.memref_slice %arg14[%dma_start3A_246, %dma_start3A_247] : memref<10048x128xf32, #tpu.memory_space<vmem_shared>> -> memref<10048x128xf32, #tpu.memory_space<vmem_shared>>
      tpu.enqueue_indirect_dma source(%dma_start3A_242 : memref<64x128xf32, #tpu.memory_space<vmem>>) target(%dma_start3A_248 : memref<10048x128xf32, #tpu.memory_space<vmem_shared>>) offsets(%dma_start3A_245 : memref<64xi32, #tpu.memory_space<vmem>>) semaphore(%arg19 : memref<!tpu.dma_semaphore, #tpu.memory_space<semaphore_mem>>) {add = true}
      %dma_wait3A_249 = arith.constant 0 : i32
      %dma_wait3A_250 = arith.constant 0 : i32
      %dma_wait3A_251 = tpu.memref_slice %arg11[%dma_wait3A_249, %dma_wait3A_250] : memref<2x64xi32, #tpu.memory_space<vmem>> -> memref<1x64xi32, #tpu.memory_space<vmem>>
      %dma_wait3A_252 = tpu.memref_squeeze %dma_wait3A_251 : memref<1x64xi32, #tpu.memory_space<vmem>> -> memref<64xi32, #tpu.memory_space<vmem>>
      %dma_wait3A_253 = arith.constant 0 : i32
      %dma_wait3A_254 = arith.constant 0 : i32
      %dma_wait3A_255 = tpu.memref_slice %arg3[%dma_wait3A_253, %dma_wait3A_254] : memref<128x128xf32, #tpu.memory_space<hbm>> -> memref<128x128xf32, #tpu.memory_space<hbm>>
      tpu.wait_indirect_dma semaphore(%arg18 : memref<!tpu.dma_semaphore, #tpu.memory_space<semaphore_mem>>) src(%dma_wait3A_255 : memref<128x128xf32, #tpu.memory_space<hbm>>) dst(%arg13 : memref<64x128xf32, #tpu.memory_space<vmem>>)
      %run_scoped3A_256 = arith.constant 0 : i32
      "tpu.region"() ({
        %run_scoped3A_314 = tpu.sem_alloc : memref<!tpu.dma_semaphore, #tpu.memory_space<semaphore_mem>>
        %dma_start3A_315 = arith.constant 0 : i32
        %dma_start3A_316 = tpu.memref_slice %arg10[%run_scoped3A_256, %dma_start3A_315] : memref<2x64xi32, #tpu.memory_space<vmem>> -> memref<1x64xi32, #tpu.memory_space<vmem>>
        %dma_start3A_317 = tpu.memref_squeeze %dma_start3A_316 : memref<1x64xi32, #tpu.memory_space<vmem>> -> memref<64xi32, #tpu.memory_space<vmem>>
        %dma_start3A_318 = arith.constant 0 : i32
        %dma_start3A_319 = arith.constant 0 : i32
        %dma_start3A_320 = tpu.memref_slice %arg15[%dma_start3A_318, %dma_start3A_319] : memref<80x128xf32, #tpu.memory_space<vmem_shared>> -> memref<80x128xf32, #tpu.memory_space<vmem_shared>>
        tpu.enqueue_indirect_dma source(%arg13 : memref<64x128xf32, #tpu.memory_space<vmem>>) target(%dma_start3A_320 : memref<80x128xf32, #tpu.memory_space<vmem_shared>>) offsets(%dma_start3A_317 : memref<64xi32, #tpu.memory_space<vmem>>) semaphore(%run_scoped3A_314 : memref<!tpu.dma_semaphore, #tpu.memory_space<semaphore_mem>>) {add = true}
        %dma_wait3A_321 = arith.constant 0 : i32
        %dma_wait3A_322 = tpu.memref_slice %arg10[%run_scoped3A_256, %dma_wait3A_321] : memref<2x64xi32, #tpu.memory_space<vmem>> -> memref<1x64xi32, #tpu.memory_space<vmem>>
        %dma_wait3A_323 = tpu.memref_squeeze %dma_wait3A_322 : memref<1x64xi32, #tpu.memory_space<vmem>> -> memref<64xi32, #tpu.memory_space<vmem>>
        %dma_wait3A_324 = arith.constant 0 : i32
        %dma_wait3A_325 = arith.constant 0 : i32
        %dma_wait3A_326 = tpu.memref_slice %arg15[%dma_wait3A_324, %dma_wait3A_325] : memref<80x128xf32, #tpu.memory_space<vmem_shared>> -> memref<80x128xf32, #tpu.memory_space<vmem_shared>>
        tpu.wait_indirect_dma semaphore(%run_scoped3A_314 : memref<!tpu.dma_semaphore, #tpu.memory_space<semaphore_mem>>) src(%arg13 : memref<64x128xf32, #tpu.memory_space<vmem>>) dst(%dma_wait3A_326 : memref<80x128xf32, #tpu.memory_space<vmem_shared>>)
        tpu.yield
      }) : () -> ()
      %add3A_257 = arith.constant 1 : i32
      %add3A_258 = arith.addi %add3A_220, %add3A_257 : i32
      %lt3A_259 = arith.constant 158 : i32
      %lt3A_260 = arith.cmpi slt, %add3A_258, %lt3A_259 : i32
      %convert_element_type3A_261 = arith.extui %lt3A_260 : i1 to i32
      %cond3A_262 = arith.constant 0 : i32
      %cond3A_263 = arith.cmpi ne, %convert_element_type3A_261, %cond3A_262 : i32
      scf.if %cond3A_263 {
        %dma_start3A_314 = arith.constant 1 : i32
        %dma_start3A_315 = arith.constant 0 : i32
        %dma_start3A_316 = tpu.memref_slice %arg11[%dma_start3A_314, %dma_start3A_315] : memref<2x64xi32, #tpu.memory_space<vmem>> -> memref<1x64xi32, #tpu.memory_space<vmem>>
        %dma_start3A_317 = tpu.memref_squeeze %dma_start3A_316 : memref<1x64xi32, #tpu.memory_space<vmem>> -> memref<64xi32, #tpu.memory_space<vmem>>
        %dma_start3A_318 = arith.constant 0 : i32
        %dma_start3A_319 = arith.constant 0 : i32
        %dma_start3A_320 = tpu.memref_slice %arg3[%dma_start3A_318, %dma_start3A_319] : memref<128x128xf32, #tpu.memory_space<hbm>> -> memref<128x128xf32, #tpu.memory_space<hbm>>
        tpu.enqueue_indirect_dma source(%dma_start3A_320 : memref<128x128xf32, #tpu.memory_space<hbm>>) target(%arg13 : memref<64x128xf32, #tpu.memory_space<vmem>>) offsets(%dma_start3A_317 : memref<64xi32, #tpu.memory_space<vmem>>) semaphore(%arg18 : memref<!tpu.dma_semaphore, #tpu.memory_space<semaphore_mem>>)
      } else {
      }
      %mul3A_264 = arith.constant 2 : i32
      %mul3A_265 = arith.muli %add3A_216, %mul3A_264 : i32
      %add3A_266 = arith.constant 1 : i32
      %add3A_267 = arith.addi %mul3A_265, %add3A_266 : i32
      %add3A_268 = arith.constant 1 : i32
      %add3A_269 = arith.addi %add3A_267, %add3A_268 : i32
      %lt3A_270 = arith.constant 158 : i32
      %lt3A_271 = arith.cmpi slt, %add3A_269, %lt3A_270 : i32
      %convert_element_type3A_272 = arith.extui %lt3A_271 : i1 to i32
      %cond3A_273 = arith.constant 0 : i32
      %cond3A_274 = arith.cmpi ne, %convert_element_type3A_272, %cond3A_273 : i32
      scf.if %cond3A_274 {
        %ge3A = arith.constant 1 : i32
        %ge3A_314 = arith.cmpi sge, %add3A_267, %ge3A : i32
        %convert_element_type3A_315 = arith.extui %ge3A_314 : i1 to i32
        %cond3A_316 = arith.constant 0 : i32
        %cond3A_317 = arith.cmpi ne, %convert_element_type3A_315, %cond3A_316 : i32
        scf.if %cond3A_317 {
          %dma_wait3A_426 = arith.constant 0 : i32
          %dma_wait3A_427 = arith.constant 0 : i32
          %dma_wait3A_428 = arith.constant 0 : i32
          %dma_wait3A_429 = arith.constant 0 : i32
          %dma_wait3A_430 = tpu.memref_slice %arg12[%dma_wait3A_426, %dma_wait3A_428, %dma_wait3A_429] : memref<2x64x128xf32, #tpu.memory_space<vmem>> -> memref<1x64x128xf32, #tpu.memory_space<vmem>>
          %dma_wait3A_431 = tpu.memref_squeeze %dma_wait3A_430 : memref<1x64x128xf32, #tpu.memory_space<vmem>> -> memref<64x128xf32, #tpu.memory_space<vmem>>
          %dma_wait3A_432 = arith.constant 0 : i32
          %dma_wait3A_433 = tpu.memref_slice %arg8[%dma_wait3A_427, %dma_wait3A_432] : memref<2x64xi32, #tpu.memory_space<vmem>> -> memref<1x64xi32, #tpu.memory_space<vmem>>
          %dma_wait3A_434 = tpu.memref_squeeze %dma_wait3A_433 : memref<1x64xi32, #tpu.memory_space<vmem>> -> memref<64xi32, #tpu.memory_space<vmem>>
          %dma_wait3A_435 = arith.constant 0 : i32
          %dma_wait3A_436 = arith.constant 0 : i32
          %dma_wait3A_437 = tpu.memref_slice %arg14[%dma_wait3A_435, %dma_wait3A_436] : memref<10048x128xf32, #tpu.memory_space<vmem_shared>> -> memref<10048x128xf32, #tpu.memory_space<vmem_shared>>
          tpu.wait_indirect_dma semaphore(%arg19 : memref<!tpu.dma_semaphore, #tpu.memory_space<semaphore_mem>>) src(%dma_wait3A_431 : memref<64x128xf32, #tpu.memory_space<vmem>>) dst(%dma_wait3A_437 : memref<10048x128xf32, #tpu.memory_space<vmem_shared>>)
        } else {
        }
        %add3A_318 = arith.constant 1 : i32
        %add3A_319 = arith.addi %add3A_267, %add3A_318 : i32
        %run_scoped3A_320 = arith.constant 0 : i32
        "tpu.region"() ({
          %run_scoped3A_426 = tpu.sem_alloc : memref<!tpu.dma_semaphore, #tpu.memory_space<semaphore_mem>>
          %dma_start3A_427 = arith.constant 0 : i32
          %dma_start3A_428 = tpu.memref_slice %arg8[%run_scoped3A_320, %dma_start3A_427] : memref<2x64xi32, #tpu.memory_space<vmem>> -> memref<1x64xi32, #tpu.memory_space<vmem>>
          %dma_start3A_429 = tpu.memref_squeeze %dma_start3A_428 : memref<1x64xi32, #tpu.memory_space<vmem>> -> memref<64xi32, #tpu.memory_space<vmem>>
          %dma_start3A_430 = arith.constant 0 : i32
          %dma_start3A_431 = tpu.memref_slice %arg4[%add3A, %add3A_319, %dma_start3A_430] : memref<32x158x64xi32, #tpu.memory_space<hbm>> -> memref<1x1x64xi32, #tpu.memory_space<hbm>>
          %dma_start3A_432 = tpu.memref_squeeze %dma_start3A_431 : memref<1x1x64xi32, #tpu.memory_space<hbm>> -> memref<64xi32, #tpu.memory_space<hbm>>
          %dma_start3A_433 = arith.constant 0 : i32
          %dma_start3A_434 = tpu.memref_slice %arg8[%run_scoped3A_320, %dma_start3A_433] : memref<2x64xi32, #tpu.memory_space<vmem>> -> memref<1x64xi32, #tpu.memory_space<vmem>>
          %dma_start3A_435 = tpu.memref_squeeze %dma_start3A_434 : memref<1x64xi32, #tpu.memory_space<vmem>> -> memref<64xi32, #tpu.memory_space<vmem>>
          %dma_start3A_436 = arith.constant 0 : i32
          %dma_start3A_437 = tpu.memref_slice %arg4[%add3A, %add3A_319, %dma_start3A_436] : memref<32x158x64xi32, #tpu.memory_space<hbm>> -> memref<1x1x64xi32, #tpu.memory_space<hbm>>
          %dma_start3A_438 = tpu.memref_squeeze %dma_start3A_437 : memref<1x1x64xi32, #tpu.memory_space<hbm>> -> memref<64xi32, #tpu.memory_space<hbm>>
          tpu.enqueue_dma source(%dma_start3A_438 : memref<64xi32, #tpu.memory_space<hbm>>) target(%dma_start3A_435 : memref<64xi32, #tpu.memory_space<vmem>>) target_semaphore(%run_scoped3A_426 : memref<!tpu.dma_semaphore, #tpu.memory_space<semaphore_mem>>)
          %dma_wait3A_439 = arith.constant 0 : i32
          %dma_wait3A_440 = tpu.memref_slice %arg8[%run_scoped3A_320, %dma_wait3A_439] : memref<2x64xi32, #tpu.memory_space<vmem>> -> memref<1x64xi32, #tpu.memory_space<vmem>>
          %dma_wait3A_441 = tpu.memref_squeeze %dma_wait3A_440 : memref<1x64xi32, #tpu.memory_space<vmem>> -> memref<64xi32, #tpu.memory_space<vmem>>
          %dma_wait3A_442 = arith.constant 0 : i32
          %dma_wait3A_443 = tpu.memref_slice %arg4[%add3A, %add3A_319, %dma_wait3A_442] : memref<32x158x64xi32, #tpu.memory_space<hbm>> -> memref<1x1x64xi32, #tpu.memory_space<hbm>>
          %dma_wait3A_444 = tpu.memref_squeeze %dma_wait3A_443 : memref<1x1x64xi32, #tpu.memory_space<hbm>> -> memref<64xi32, #tpu.memory_space<hbm>>
          %dma_wait3A_445 = arith.constant 0 : i32
          %dma_wait3A_446 = tpu.memref_slice %arg8[%run_scoped3A_320, %dma_wait3A_445] : memref<2x64xi32, #tpu.memory_space<vmem>> -> memref<1x64xi32, #tpu.memory_space<vmem>>
          %dma_wait3A_447 = tpu.memref_squeeze %dma_wait3A_446 : memref<1x64xi32, #tpu.memory_space<vmem>> -> memref<64xi32, #tpu.memory_space<vmem>>
          %dma_wait3A_448 = arith.constant 0 : i32
          %dma_wait3A_449 = tpu.memref_slice %arg4[%add3A, %add3A_319, %dma_wait3A_448] : memref<32x158x64xi32, #tpu.memory_space<hbm>> -> memref<1x1x64xi32, #tpu.memory_space<hbm>>
          %dma_wait3A_450 = tpu.memref_squeeze %dma_wait3A_449 : memref<1x1x64xi32, #tpu.memory_space<hbm>> -> memref<64xi32, #tpu.memory_space<hbm>>
          tpu.wait_dma2 semaphore(%run_scoped3A_426 : memref<!tpu.dma_semaphore, #tpu.memory_space<semaphore_mem>>) src(%dma_wait3A_450 : memref<64xi32, #tpu.memory_space<hbm>>) dst(%dma_wait3A_447 : memref<64xi32, #tpu.memory_space<vmem>>)
          tpu.yield
        }) : () -> ()
        %run_scoped3A_321 = arith.constant 0 : i32
        "tpu.region"() ({
          %run_scoped3A_426 = tpu.sem_alloc : memref<!tpu.dma_semaphore, #tpu.memory_space<semaphore_mem>>
          %dma_start3A_427 = arith.constant 0 : i32
          %dma_start3A_428 = tpu.memref_slice %arg9[%run_scoped3A_321, %dma_start3A_427] : memref<2x64xi32, #tpu.memory_space<vmem>> -> memref<1x64xi32, #tpu.memory_space<vmem>>
          %dma_start3A_429 = tpu.memref_squeeze %dma_start3A_428 : memref<1x64xi32, #tpu.memory_space<vmem>> -> memref<64xi32, #tpu.memory_space<vmem>>
          %dma_start3A_430 = arith.constant 0 : i32
          %dma_start3A_431 = tpu.memref_slice %arg5[%add3A, %add3A_319, %dma_start3A_430] : memref<32x158x64xi32, #tpu.memory_space<hbm>> -> memref<1x1x64xi32, #tpu.memory_space<hbm>>
          %dma_start3A_432 = tpu.memref_squeeze %dma_start3A_431 : memref<1x1x64xi32, #tpu.memory_space<hbm>> -> memref<64xi32, #tpu.memory_space<hbm>>
          %dma_start3A_433 = arith.constant 0 : i32
          %dma_start3A_434 = tpu.memref_slice %arg9[%run_scoped3A_321, %dma_start3A_433] : memref<2x64xi32, #tpu.memory_space<vmem>> -> memref<1x64xi32, #tpu.memory_space<vmem>>
          %dma_start3A_435 = tpu.memref_squeeze %dma_start3A_434 : memref<1x64xi32, #tpu.memory_space<vmem>> -> memref<64xi32, #tpu.memory_space<vmem>>
          %dma_start3A_436 = arith.constant 0 : i32
          %dma_start3A_437 = tpu.memref_slice %arg5[%add3A, %add3A_319, %dma_start3A_436] : memref<32x158x64xi32, #tpu.memory_space<hbm>> -> memref<1x1x64xi32, #tpu.memory_space<hbm>>
          %dma_start3A_438 = tpu.memref_squeeze %dma_start3A_437 : memref<1x1x64xi32, #tpu.memory_space<hbm>> -> memref<64xi32, #tpu.memory_space<hbm>>
          tpu.enqueue_dma source(%dma_start3A_438 : memref<64xi32, #tpu.memory_space<hbm>>) target(%dma_start3A_435 : memref<64xi32, #tpu.memory_space<vmem>>) target_semaphore(%run_scoped3A_426 : memref<!tpu.dma_semaphore, #tpu.memory_space<semaphore_mem>>)
          %dma_wait3A_439 = arith.constant 0 : i32
          %dma_wait3A_440 = tpu.memref_slice %arg9[%run_scoped3A_321, %dma_wait3A_439] : memref<2x64xi32, #tpu.memory_space<vmem>> -> memref<1x64xi32, #tpu.memory_space<vmem>>
          %dma_wait3A_441 = tpu.memref_squeeze %dma_wait3A_440 : memref<1x64xi32, #tpu.memory_space<vmem>> -> memref<64xi32, #tpu.memory_space<vmem>>
          %dma_wait3A_442 = arith.constant 0 : i32
          %dma_wait3A_443 = tpu.memref_slice %arg5[%add3A, %add3A_319, %dma_wait3A_442] : memref<32x158x64xi32, #tpu.memory_space<hbm>> -> memref<1x1x64xi32, #tpu.memory_space<hbm>>
          %dma_wait3A_444 = tpu.memref_squeeze %dma_wait3A_443 : memref<1x1x64xi32, #tpu.memory_space<hbm>> -> memref<64xi32, #tpu.memory_space<hbm>>
          %dma_wait3A_445 = arith.constant 0 : i32
          %dma_wait3A_446 = tpu.memref_slice %arg9[%run_scoped3A_321, %dma_wait3A_445] : memref<2x64xi32, #tpu.memory_space<vmem>> -> memref<1x64xi32, #tpu.memory_space<vmem>>
          %dma_wait3A_447 = tpu.memref_squeeze %dma_wait3A_446 : memref<1x64xi32, #tpu.memory_space<vmem>> -> memref<64xi32, #tpu.memory_space<vmem>>
          %dma_wait3A_448 = arith.constant 0 : i32
          %dma_wait3A_449 = tpu.memref_slice %arg5[%add3A, %add3A_319, %dma_wait3A_448] : memref<32x158x64xi32, #tpu.memory_space<hbm>> -> memref<1x1x64xi32, #tpu.memory_space<hbm>>
          %dma_wait3A_450 = tpu.memref_squeeze %dma_wait3A_449 : memref<1x1x64xi32, #tpu.memory_space<hbm>> -> memref<64xi32, #tpu.memory_space<hbm>>
          tpu.wait_dma2 semaphore(%run_scoped3A_426 : memref<!tpu.dma_semaphore, #tpu.memory_space<semaphore_mem>>) src(%dma_wait3A_450 : memref<64xi32, #tpu.memory_space<hbm>>) dst(%dma_wait3A_447 : memref<64xi32, #tpu.memory_space<vmem>>)
          tpu.yield
        }) : () -> ()
        %dma_start3A_322 = arith.constant 0 : i32
        %dma_start3A_323 = arith.constant 0 : i32
        %dma_start3A_324 = arith.constant 0 : i32
        %dma_start3A_325 = arith.constant 0 : i32
        %dma_start3A_326 = tpu.memref_slice %arg12[%dma_start3A_323, %dma_start3A_324, %dma_start3A_325] : memref<2x64x128xf32, #tpu.memory_space<vmem>> -> memref<1x64x128xf32, #tpu.memory_space<vmem>>
        %dma_start3A_327 = tpu.memref_squeeze %dma_start3A_326 : memref<1x64x128xf32, #tpu.memory_space<vmem>> -> memref<64x128xf32, #tpu.memory_space<vmem>>
        %dma_start3A_328 = arith.constant 0 : i32
        %dma_start3A_329 = tpu.memref_slice %arg9[%dma_start3A_322, %dma_start3A_328] : memref<2x64xi32, #tpu.memory_space<vmem>> -> memref<1x64xi32, #tpu.memory_space<vmem>>
        %dma_start3A_330 = tpu.memref_squeeze %dma_start3A_329 : memref<1x64xi32, #tpu.memory_space<vmem>> -> memref<64xi32, #tpu.memory_space<vmem>>
        %dma_start3A_331 = arith.constant 0 : i32
        %dma_start3A_332 = arith.constant 0 : i32
        %dma_start3A_333 = tpu.memref_slice %arg2[%dma_start3A_331, %dma_start3A_332] : memref<10000x128xf32, #tpu.memory_space<hbm>> -> memref<10000x128xf32, #tpu.memory_space<hbm>>
        tpu.enqueue_indirect_dma source(%dma_start3A_333 : memref<10000x128xf32, #tpu.memory_space<hbm>>) target(%dma_start3A_327 : memref<64x128xf32, #tpu.memory_space<vmem>>) offsets(%dma_start3A_330 : memref<64xi32, #tpu.memory_space<vmem>>) semaphore(%arg16 : memref<!tpu.dma_semaphore, #tpu.memory_space<semaphore_mem>>)
        %get3A_334 = arith.constant 0 : i32
        %get3A_335 = arith.index_cast %get3A_334 : i32 to index
        %get3A_336 = arith.constant 0 : index
        %get3A_337 = tpu.vector_load %arg8[%get3A_335, %get3A_336] {strides = array<i32>} : memref<2x64xi32, #tpu.memory_space<vmem>>, vector<1x16xi32>,
        %get3A_338 = vector.shape_cast %get3A_337 : vector<1x16xi32> to vector<16xi32>
        %shift_right_logical3A_339 = arith.constant 7 : i32
        %shift_right_logical3A_340 = vector.broadcast %shift_right_logical3A_339 : i32 to vector<16xi32>
        %shift_right_logical3A_341 = arith.shrui %get3A_338, %shift_right_logical3A_340 : vector<16xi32>
        %swap3A_342 = arith.constant 0 : i32
        %swap3A_343 = arith.index_cast %swap3A_342 : i32 to index
        %swap3A_344 = arith.constant 0 : index
        %swap3A_345 = tpu.vector_load %arg10[%swap3A_343, %swap3A_344] {strides = array<i32>} : memref<2x64xi32, #tpu.memory_space<vmem>>, vector<1x16xi32>,
        %swap3A_346 = vector.shape_cast %swap3A_345 : vector<1x16xi32> to vector<16xi32>
        %swap3A_347 = vector.shape_cast %shift_right_logical3A_341 : vector<16xi32> to vector<1x16xi32>
        tpu.vector_store %arg10[%swap3A_343, %swap3A_344], %swap3A_347 {strides = array<i32>} : memref<2x64xi32, #tpu.memory_space<vmem>>, vector<1x16xi32>,
        %and3A_348 = arith.constant 127 : i32
        %and3A_349 = vector.broadcast %and3A_348 : i32 to vector<16xi32>
        %and3A_350 = arith.andi %get3A_338, %and3A_349 : vector<16xi32>
        %swap3A_351 = arith.constant 0 : i32
        %swap3A_352 = arith.index_cast %swap3A_351 : i32 to index
        %swap3A_353 = arith.constant 0 : index
        %swap3A_354 = tpu.vector_load %arg11[%swap3A_352, %swap3A_353] {strides = array<i32>} : memref<2x64xi32, #tpu.memory_space<vmem>>, vector<1x16xi32>,
        %swap3A_355 = vector.shape_cast %swap3A_354 : vector<1x16xi32> to vector<16xi32>
        %swap3A_356 = vector.shape_cast %and3A_350 : vector<16xi32> to vector<1x16xi32>
        tpu.vector_store %arg11[%swap3A_352, %swap3A_353], %swap3A_356 {strides = array<i32>} : memref<2x64xi32, #tpu.memory_space<vmem>>, vector<1x16xi32>,
        %get3A_357 = arith.constant 0 : i32
        %get3A_358 = arith.index_cast %get3A_357 : i32 to index
        %get3A_359 = arith.constant 16 : index
        %get3A_360 = tpu.vector_load %arg8[%get3A_358, %get3A_359] {strides = array<i32>} : memref<2x64xi32, #tpu.memory_space<vmem>>, vector<1x16xi32>,
        %get3A_361 = vector.shape_cast %get3A_360 : vector<1x16xi32> to vector<16xi32>
        %shift_right_logical3A_362 = arith.constant 7 : i32
        %shift_right_logical3A_363 = vector.broadcast %shift_right_logical3A_362 : i32 to vector<16xi32>
        %shift_right_logical3A_364 = arith.shrui %get3A_361, %shift_right_logical3A_363 : vector<16xi32>
        %swap3A_365 = arith.constant 0 : i32
        %swap3A_366 = arith.index_cast %swap3A_365 : i32 to index
        %swap3A_367 = arith.constant 16 : index
        %swap3A_368 = tpu.vector_load %arg10[%swap3A_366, %swap3A_367] {strides = array<i32>} : memref<2x64xi32, #tpu.memory_space<vmem>>, vector<1x16xi32>,
        %swap3A_369 = vector.shape_cast %swap3A_368 : vector<1x16xi32> to vector<16xi32>
        %swap3A_370 = vector.shape_cast %shift_right_logical3A_364 : vector<16xi32> to vector<1x16xi32>
        tpu.vector_store %arg10[%swap3A_366, %swap3A_367], %swap3A_370 {strides = array<i32>} : memref<2x64xi32, #tpu.memory_space<vmem>>, vector<1x16xi32>,
        %and3A_371 = arith.constant 127 : i32
        %and3A_372 = vector.broadcast %and3A_371 : i32 to vector<16xi32>
        %and3A_373 = arith.andi %get3A_361, %and3A_372 : vector<16xi32>
        %swap3A_374 = arith.constant 0 : i32
        %swap3A_375 = arith.index_cast %swap3A_374 : i32 to index
        %swap3A_376 = arith.constant 16 : index
        %swap3A_377 = tpu.vector_load %arg11[%swap3A_375, %swap3A_376] {strides = array<i32>} : memref<2x64xi32, #tpu.memory_space<vmem>>, vector<1x16xi32>,
        %swap3A_378 = vector.shape_cast %swap3A_377 : vector<1x16xi32> to vector<16xi32>
        %swap3A_379 = vector.shape_cast %and3A_373 : vector<16xi32> to vector<1x16xi32>
        tpu.vector_store %arg11[%swap3A_375, %swap3A_376], %swap3A_379 {strides = array<i32>} : memref<2x64xi32, #tpu.memory_space<vmem>>, vector<1x16xi32>,
        %get3A_380 = arith.constant 0 : i32
        %get3A_381 = arith.index_cast %get3A_380 : i32 to index
        %get3A_382 = arith.constant 32 : index
        %get3A_383 = tpu.vector_load %arg8[%get3A_381, %get3A_382] {strides = array<i32>} : memref<2x64xi32, #tpu.memory_space<vmem>>, vector<1x16xi32>,
        %get3A_384 = vector.shape_cast %get3A_383 : vector<1x16xi32> to vector<16xi32>
        %shift_right_logical3A_385 = arith.constant 7 : i32
        %shift_right_logical3A_386 = vector.broadcast %shift_right_logical3A_385 : i32 to vector<16xi32>
        %shift_right_logical3A_387 = arith.shrui %get3A_384, %shift_right_logical3A_386 : vector<16xi32>
        %swap3A_388 = arith.constant 0 : i32
        %swap3A_389 = arith.index_cast %swap3A_388 : i32 to index
        %swap3A_390 = arith.constant 32 : index
        %swap3A_391 = tpu.vector_load %arg10[%swap3A_389, %swap3A_390] {strides = array<i32>} : memref<2x64xi32, #tpu.memory_space<vmem>>, vector<1x16xi32>,
        %swap3A_392 = vector.shape_cast %swap3A_391 : vector<1x16xi32> to vector<16xi32>
        %swap3A_393 = vector.shape_cast %shift_right_logical3A_387 : vector<16xi32> to vector<1x16xi32>
        tpu.vector_store %arg10[%swap3A_389, %swap3A_390], %swap3A_393 {strides = array<i32>} : memref<2x64xi32, #tpu.memory_space<vmem>>, vector<1x16xi32>,
        %and3A_394 = arith.constant 127 : i32
        %and3A_395 = vector.broadcast %and3A_394 : i32 to vector<16xi32>
        %and3A_396 = arith.andi %get3A_384, %and3A_395 : vector<16xi32>
        %swap3A_397 = arith.constant 0 : i32
        %swap3A_398 = arith.index_cast %swap3A_397 : i32 to index
        %swap3A_399 = arith.constant 32 : index
        %swap3A_400 = tpu.vector_load %arg11[%swap3A_398, %swap3A_399] {strides = array<i32>} : memref<2x64xi32, #tpu.memory_space<vmem>>, vector<1x16xi32>,
        %swap3A_401 = vector.shape_cast %swap3A_400 : vector<1x16xi32> to vector<16xi32>
        %swap3A_402 = vector.shape_cast %and3A_396 : vector<16xi32> to vector<1x16xi32>
        tpu.vector_store %arg11[%swap3A_398, %swap3A_399], %swap3A_402 {strides = array<i32>} : memref<2x64xi32, #tpu.memory_space<vmem>>, vector<1x16xi32>,
        %get3A_403 = arith.constant 0 : i32
        %get3A_404 = arith.index_cast %get3A_403 : i32 to index
        %get3A_405 = arith.constant 48 : index
        %get3A_406 = tpu.vector_load %arg8[%get3A_404, %get3A_405] {strides = array<i32>} : memref<2x64xi32, #tpu.memory_space<vmem>>, vector<1x16xi32>,
        %get3A_407 = vector.shape_cast %get3A_406 : vector<1x16xi32> to vector<16xi32>
        %shift_right_logical3A_408 = arith.constant 7 : i32
        %shift_right_logical3A_409 = vector.broadcast %shift_right_logical3A_408 : i32 to vector<16xi32>
        %shift_right_logical3A_410 = arith.shrui %get3A_407, %shift_right_logical3A_409 : vector<16xi32>
        %swap3A_411 = arith.constant 0 : i32
        %swap3A_412 = arith.index_cast %swap3A_411 : i32 to index
        %swap3A_413 = arith.constant 48 : index
        %swap3A_414 = tpu.vector_load %arg10[%swap3A_412, %swap3A_413] {strides = array<i32>} : memref<2x64xi32, #tpu.memory_space<vmem>>, vector<1x16xi32>,
        %swap3A_415 = vector.shape_cast %swap3A_414 : vector<1x16xi32> to vector<16xi32>
        %swap3A_416 = vector.shape_cast %shift_right_logical3A_410 : vector<16xi32> to vector<1x16xi32>
        tpu.vector_store %arg10[%swap3A_412, %swap3A_413], %swap3A_416 {strides = array<i32>} : memref<2x64xi32, #tpu.memory_space<vmem>>, vector<1x16xi32>,
        %and3A_417 = arith.constant 127 : i32
        %and3A_418 = vector.broadcast %and3A_417 : i32 to vector<16xi32>
        %and3A_419 = arith.andi %get3A_407, %and3A_418 : vector<16xi32>
        %swap3A_420 = arith.constant 0 : i32
        %swap3A_421 = arith.index_cast %swap3A_420 : i32 to index
        %swap3A_422 = arith.constant 48 : index
        %swap3A_423 = tpu.vector_load %arg11[%swap3A_421, %swap3A_422] {strides = array<i32>} : memref<2x64xi32, #tpu.memory_space<vmem>>, vector<1x16xi32>,
        %swap3A_424 = vector.shape_cast %swap3A_423 : vector<1x16xi32> to vector<16xi32>
        %swap3A_425 = vector.shape_cast %and3A_419 : vector<16xi32> to vector<1x16xi32>
        tpu.vector_store %arg11[%swap3A_421, %swap3A_422], %swap3A_425 {strides = array<i32>} : memref<2x64xi32, #tpu.memory_space<vmem>>, vector<1x16xi32>,
      } else {
      }
      %dma_wait3A_275 = arith.constant 1 : i32
      %dma_wait3A_276 = arith.constant 1 : i32
      %dma_wait3A_277 = arith.constant 0 : i32
      %dma_wait3A_278 = arith.constant 0 : i32
      %dma_wait3A_279 = tpu.memref_slice %arg12[%dma_wait3A_276, %dma_wait3A_277, %dma_wait3A_278] : memref<2x64x128xf32, #tpu.memory_space<vmem>> -> memref<1x64x128xf32, #tpu.memory_space<vmem>>
      %dma_wait3A_280 = tpu.memref_squeeze %dma_wait3A_279 : memref<1x64x128xf32, #tpu.memory_space<vmem>> -> memref<64x128xf32, #tpu.memory_space<vmem>>
      %dma_wait3A_281 = arith.constant 0 : i32
      %dma_wait3A_282 = tpu.memref_slice %arg9[%dma_wait3A_275, %dma_wait3A_281] : memref<2x64xi32, #tpu.memory_space<vmem>> -> memref<1x64xi32, #tpu.memory_space<vmem>>
      %dma_wait3A_283 = tpu.memref_squeeze %dma_wait3A_282 : memref<1x64xi32, #tpu.memory_space<vmem>> -> memref<64xi32, #tpu.memory_space<vmem>>
      %dma_wait3A_284 = arith.constant 0 : i32
      %dma_wait3A_285 = arith.constant 0 : i32
      %dma_wait3A_286 = tpu.memref_slice %arg2[%dma_wait3A_284, %dma_wait3A_285] : memref<10000x128xf32, #tpu.memory_space<hbm>> -> memref<10000x128xf32, #tpu.memory_space<hbm>>
      tpu.wait_indirect_dma semaphore(%arg17 : memref<!tpu.dma_semaphore, #tpu.memory_space<semaphore_mem>>) src(%dma_wait3A_286 : memref<10000x128xf32, #tpu.memory_space<hbm>>) dst(%dma_wait3A_280 : memref<64x128xf32, #tpu.memory_space<vmem>>)
      %dma_start3A_287 = arith.constant 1 : i32
      %dma_start3A_288 = arith.constant 1 : i32
      %dma_start3A_289 = arith.constant 0 : i32
      %dma_start3A_290 = arith.constant 0 : i32
      %dma_start3A_291 = tpu.memref_slice %arg12[%dma_start3A_287, %dma_start3A_289, %dma_start3A_290] : memref<2x64x128xf32, #tpu.memory_space<vmem>> -> memref<1x64x128xf32, #tpu.memory_space<vmem>>
      %dma_start3A_292 = tpu.memref_squeeze %dma_start3A_291 : memref<1x64x128xf32, #tpu.memory_space<vmem>> -> memref<64x128xf32, #tpu.memory_space<vmem>>
      %dma_start3A_293 = arith.constant 0 : i32
      %dma_start3A_294 = tpu.memref_slice %arg8[%dma_start3A_288, %dma_start3A_293] : memref<2x64xi32, #tpu.memory_space<vmem>> -> memref<1x64xi32, #tpu.memory_space<vmem>>
      %dma_start3A_295 = tpu.memref_squeeze %dma_start3A_294 : memref<1x64xi32, #tpu.memory_space<vmem>> -> memref<64xi32, #tpu.memory_space<vmem>>
      %dma_start3A_296 = arith.constant 0 : i32
      %dma_start3A_297 = arith.constant 0 : i32
      %dma_start3A_298 = tpu.memref_slice %arg14[%dma_start3A_296, %dma_start3A_297] : memref<10048x128xf32, #tpu.memory_space<vmem_shared>> -> memref<10048x128xf32, #tpu.memory_space<vmem_shared>>
      tpu.enqueue_indirect_dma source(%dma_start3A_292 : memref<64x128xf32, #tpu.memory_space<vmem>>) target(%dma_start3A_298 : memref<10048x128xf32, #tpu.memory_space<vmem_shared>>) offsets(%dma_start3A_295 : memref<64xi32, #tpu.memory_space<vmem>>) semaphore(%arg20 : memref<!tpu.dma_semaphore, #tpu.memory_space<semaphore_mem>>) {add = true}
      %dma_wait3A_299 = arith.constant 1 : i32
      %dma_wait3A_300 = arith.constant 0 : i32
      %dma_wait3A_301 = tpu.memref_slice %arg11[%dma_wait3A_299, %dma_wait3A_300] : memref<2x64xi32, #tpu.memory_space<vmem>> -> memref<1x64xi32, #tpu.memory_space<vmem>>
      %dma_wait3A_302 = tpu.memref_squeeze %dma_wait3A_301 : memref<1x64xi32, #tpu.memory_space<vmem>> -> memref<64xi32, #tpu.memory_space<vmem>>
      %dma_wait3A_303 = arith.constant 0 : i32
      %dma_wait3A_304 = arith.constant 0 : i32
      %dma_wait3A_305 = tpu.memref_slice %arg3[%dma_wait3A_303, %dma_wait3A_304] : memref<128x128xf32, #tpu.memory_space<hbm>> -> memref<128x128xf32, #tpu.memory_space<hbm>>
      tpu.wait_indirect_dma semaphore(%arg18 : memref<!tpu.dma_semaphore, #tpu.memory_space<semaphore_mem>>) src(%dma_wait3A_305 : memref<128x128xf32, #tpu.memory_space<hbm>>) dst(%arg13 : memref<64x128xf32, #tpu.memory_space<vmem>>)
      %run_scoped3A_306 = arith.constant 1 : i32
      "tpu.region"() ({
        %run_scoped3A_314 = tpu.sem_alloc : memref<!tpu.dma_semaphore, #tpu.memory_space<semaphore_mem>>
        %dma_start3A_315 = arith.constant 0 : i32
        %dma_start3A_316 = tpu.memref_slice %arg10[%run_scoped3A_306, %dma_start3A_315] : memref<2x64xi32, #tpu.memory_space<vmem>> -> memref<1x64xi32, #tpu.memory_space<vmem>>
        %dma_start3A_317 = tpu.memref_squeeze %dma_start3A_316 : memref<1x64xi32, #tpu.memory_space<vmem>> -> memref<64xi32, #tpu.memory_space<vmem>>
        %dma_start3A_318 = arith.constant 0 : i32
        %dma_start3A_319 = arith.constant 0 : i32
        %dma_start3A_320 = tpu.memref_slice %arg15[%dma_start3A_318, %dma_start3A_319] : memref<80x128xf32, #tpu.memory_space<vmem_shared>> -> memref<80x128xf32, #tpu.memory_space<vmem_shared>>
        tpu.enqueue_indirect_dma source(%arg13 : memref<64x128xf32, #tpu.memory_space<vmem>>) target(%dma_start3A_320 : memref<80x128xf32, #tpu.memory_space<vmem_shared>>) offsets(%dma_start3A_317 : memref<64xi32, #tpu.memory_space<vmem>>) semaphore(%run_scoped3A_314 : memref<!tpu.dma_semaphore, #tpu.memory_space<semaphore_mem>>) {add = true}
        %dma_wait3A_321 = arith.constant 0 : i32
        %dma_wait3A_322 = tpu.memref_slice %arg10[%run_scoped3A_306, %dma_wait3A_321] : memref<2x64xi32, #tpu.memory_space<vmem>> -> memref<1x64xi32, #tpu.memory_space<vmem>>
        %dma_wait3A_323 = tpu.memref_squeeze %dma_wait3A_322 : memref<1x64xi32, #tpu.memory_space<vmem>> -> memref<64xi32, #tpu.memory_space<vmem>>
        %dma_wait3A_324 = arith.constant 0 : i32
        %dma_wait3A_325 = arith.constant 0 : i32
        %dma_wait3A_326 = tpu.memref_slice %arg15[%dma_wait3A_324, %dma_wait3A_325] : memref<80x128xf32, #tpu.memory_space<vmem_shared>> -> memref<80x128xf32, #tpu.memory_space<vmem_shared>>
        tpu.wait_indirect_dma semaphore(%run_scoped3A_314 : memref<!tpu.dma_semaphore, #tpu.memory_space<semaphore_mem>>) src(%arg13 : memref<64x128xf32, #tpu.memory_space<vmem>>) dst(%dma_wait3A_326 : memref<80x128xf32, #tpu.memory_space<vmem_shared>>)
        tpu.yield
      }) : () -> ()
      %add3A_307 = arith.constant 1 : i32
      %add3A_308 = arith.addi %add3A_267, %add3A_307 : i32
      %lt3A_309 = arith.constant 158 : i32
      %lt3A_310 = arith.cmpi slt, %add3A_308, %lt3A_309 : i32
      %convert_element_type3A_311 = arith.extui %lt3A_310 : i1 to i32
      %cond3A_312 = arith.constant 0 : i32
      %cond3A_313 = arith.cmpi ne, %convert_element_type3A_311, %cond3A_312 : i32
      scf.if %cond3A_313 {
        %dma_start3A_314 = arith.constant 0 : i32
        %dma_start3A_315 = arith.constant 0 : i32
        %dma_start3A_316 = tpu.memref_slice %arg11[%dma_start3A_314, %dma_start3A_315] : memref<2x64xi32, #tpu.memory_space<vmem>> -> memref<1x64xi32, #tpu.memory_space<vmem>>
        %dma_start3A_317 = tpu.memref_squeeze %dma_start3A_316 : memref<1x64xi32, #tpu.memory_space<vmem>> -> memref<64xi32, #tpu.memory_space<vmem>>
        %dma_start3A_318 = arith.constant 0 : i32
        %dma_start3A_319 = arith.constant 0 : i32
        %dma_start3A_320 = tpu.memref_slice %arg3[%dma_start3A_318, %dma_start3A_319] : memref<128x128xf32, #tpu.memory_space<hbm>> -> memref<128x128xf32, #tpu.memory_space<hbm>>
        tpu.enqueue_indirect_dma source(%dma_start3A_320 : memref<128x128xf32, #tpu.memory_space<hbm>>) target(%arg13 : memref<64x128xf32, #tpu.memory_space<vmem>>) offsets(%dma_start3A_317 : memref<64xi32, #tpu.memory_space<vmem>>) semaphore(%arg18 : memref<!tpu.dma_semaphore, #tpu.memory_space<semaphore_mem>>)
      } else {
      }
    }
    %scan3A_151 = arith.constant 79 : i32
    %dma_wait3A = arith.constant 0 : i32
    %dma_wait3A_152 = arith.constant 0 : i32
    %dma_wait3A_153 = arith.constant 0 : i32
    %dma_wait3A_154 = arith.constant 0 : i32
    %dma_wait3A_155 = tpu.memref_slice %arg12[%dma_wait3A, %dma_wait3A_153, %dma_wait3A_154] : memref<2x64x128xf32, #tpu.memory_space<vmem>> -> memref<1x64x128xf32, #tpu.memory_space<vmem>>
    %dma_wait3A_156 = tpu.memref_squeeze %dma_wait3A_155 : memref<1x64x128xf32, #tpu.memory_space<vmem>> -> memref<64x128xf32, #tpu.memory_space<vmem>>
    %dma_wait3A_157 = arith.constant 0 : i32
    %dma_wait3A_158 = tpu.memref_slice %arg8[%dma_wait3A_152, %dma_wait3A_157] : memref<2x64xi32, #tpu.memory_space<vmem>> -> memref<1x64xi32, #tpu.memory_space<vmem>>
    %dma_wait3A_159 = tpu.memref_squeeze %dma_wait3A_158 : memref<1x64xi32, #tpu.memory_space<vmem>> -> memref<64xi32, #tpu.memory_space<vmem>>
    %dma_wait3A_160 = arith.constant 0 : i32
    %dma_wait3A_161 = arith.constant 0 : i32
    %dma_wait3A_162 = tpu.memref_slice %arg14[%dma_wait3A_160, %dma_wait3A_161] : memref<10048x128xf32, #tpu.memory_space<vmem_shared>> -> memref<10048x128xf32, #tpu.memory_space<vmem_shared>>
    tpu.wait_indirect_dma semaphore(%arg19 : memref<!tpu.dma_semaphore, #tpu.memory_space<semaphore_mem>>) src(%dma_wait3A_156 : memref<64x128xf32, #tpu.memory_space<vmem>>) dst(%dma_wait3A_162 : memref<10048x128xf32, #tpu.memory_space<vmem_shared>>)
    %dma_wait3A_163 = arith.constant 1 : i32
    %dma_wait3A_164 = arith.constant 1 : i32
    %dma_wait3A_165 = arith.constant 0 : i32
    %dma_wait3A_166 = arith.constant 0 : i32
    %dma_wait3A_167 = tpu.memref_slice %arg12[%dma_wait3A_163, %dma_wait3A_165, %dma_wait3A_166] : memref<2x64x128xf32, #tpu.memory_space<vmem>> -> memref<1x64x128xf32, #tpu.memory_space<vmem>>
    %dma_wait3A_168 = tpu.memref_squeeze %dma_wait3A_167 : memref<1x64x128xf32, #tpu.memory_space<vmem>> -> memref<64x128xf32, #tpu.memory_space<vmem>>
    %dma_wait3A_169 = arith.constant 0 : i32
    %dma_wait3A_170 = tpu.memref_slice %arg8[%dma_wait3A_164, %dma_wait3A_169] : memref<2x64xi32, #tpu.memory_space<vmem>> -> memref<1x64xi32, #tpu.memory_space<vmem>>
    %dma_wait3A_171 = tpu.memref_squeeze %dma_wait3A_170 : memref<1x64xi32, #tpu.memory_space<vmem>> -> memref<64xi32, #tpu.memory_space<vmem>>
    %dma_wait3A_172 = arith.constant 0 : i32
    %dma_wait3A_173 = arith.constant 0 : i32
    %dma_wait3A_174 = tpu.memref_slice %arg14[%dma_wait3A_172, %dma_wait3A_173] : memref<10048x128xf32, #tpu.memory_space<vmem_shared>> -> memref<10048x128xf32, #tpu.memory_space<vmem_shared>>
    tpu.wait_indirect_dma semaphore(%arg20 : memref<!tpu.dma_semaphore, #tpu.memory_space<semaphore_mem>>) src(%dma_wait3A_168 : memref<64x128xf32, #tpu.memory_space<vmem>>) dst(%dma_wait3A_174 : memref<10048x128xf32, #tpu.memory_space<vmem_shared>>)
    %barrier3A_175 = arith.constant 0 : index
    tpu.barrier barrier_id(%barrier3A_175)
    %sub3A_176 = arith.constant 157 : i32
    %sub3A_177 = arith.subi %sub3A_176, %arg1 : i32
    %sub3A_178 = arith.constant 16 : i32
    %sub3A_179 = arith.constant 1 : i32
    %sub3A_180 = arith.subi %sub3A_178, %sub3A_179 : i32
    %add3A_181 = arith.addi %sub3A_177, %sub3A_180 : i32
    %div3A_182 = arith.constant 16 : i32
    %div3A_183 = arith.divsi %add3A_181, %div3A_182 : i32
    %while3A_184 = arith.constant 16 : i32
    %while3A_185 = arith.constant 0 : i32
    %while3A_186 = arith.subi %div3A_183, %while3A_185 : i32
    %while3A_187 = arith.addi %while3A_185, %while3A_186 : i32
    %while3A_188 = arith.constant 1 : i32
    %while3A_189 = arith.divsi %while3A_186, %while3A_188 : i32
    %while3A_190 = arith.muli %while3A_189, %while3A_188 : i32
    %while3A_191 = arith.addi %while3A_185, %while3A_190 : i32
    %while3A_192 = arith.constant 1 : i32
    scf.for %while3A_212 = %while3A_185 to %while3A_191 step %while3A_192  : i32 {
      %mul3A_213 = arith.muli %while3A_212, %while3A_184 : i32
      %add3A_214 = arith.addi %arg1, %mul3A_213 : i32
      %mul3A_215 = arith.constant 64 : i32
      %mul3A_216 = arith.muli %add3A_214, %mul3A_215 : i32
      %run_scoped3A_217 = arith.constant 0 : i32
      "tpu.region"() ({
        %run_scoped3A_221 = tpu.sem_alloc : memref<!tpu.dma_semaphore, #tpu.memory_space<semaphore_mem>>
        %dma_start3A_222 = arith.constant 0 : i32
        %dma_start3A_223 = arith.constant 0 : i32
        %dma_start3A_224 = tpu.memref_slice %arg12[%run_scoped3A_217, %dma_start3A_222, %dma_start3A_223] : memref<2x64x128xf32, #tpu.memory_space<vmem>> -> memref<1x64x128xf32, #tpu.memory_space<vmem>>
        %dma_start3A_225 = tpu.memref_squeeze %dma_start3A_224 : memref<1x64x128xf32, #tpu.memory_space<vmem>> -> memref<64x128xf32, #tpu.memory_space<vmem>>
        %dma_start3A_226 = arith.constant 0 : i32
        %dma_start3A_227 = tpu.memref_slice %arg14[%mul3A_216, %dma_start3A_226] : memref<10048x128xf32, #tpu.memory_space<vmem_shared>> -> memref<64x128xf32, #tpu.memory_space<vmem_shared>>
        %dma_start3A_228 = arith.constant 0 : i32
        %dma_start3A_229 = arith.constant 0 : i32
        %dma_start3A_230 = tpu.memref_slice %arg12[%run_scoped3A_217, %dma_start3A_228, %dma_start3A_229] : memref<2x64x128xf32, #tpu.memory_space<vmem>> -> memref<1x64x128xf32, #tpu.memory_space<vmem>>
        %dma_start3A_231 = tpu.memref_squeeze %dma_start3A_230 : memref<1x64x128xf32, #tpu.memory_space<vmem>> -> memref<64x128xf32, #tpu.memory_space<vmem>>
        %dma_start3A_232 = arith.constant 0 : i32
        %dma_start3A_233 = tpu.memref_slice %arg14[%mul3A_216, %dma_start3A_232] : memref<10048x128xf32, #tpu.memory_space<vmem_shared>> -> memref<64x128xf32, #tpu.memory_space<vmem_shared>>
        tpu.enqueue_dma source(%dma_start3A_233 : memref<64x128xf32, #tpu.memory_space<vmem_shared>>) target(%dma_start3A_231 : memref<64x128xf32, #tpu.memory_space<vmem>>) target_semaphore(%run_scoped3A_221 : memref<!tpu.dma_semaphore, #tpu.memory_space<semaphore_mem>>)
        %dma_wait3A_234 = arith.constant 0 : i32
        %dma_wait3A_235 = arith.constant 0 : i32
        %dma_wait3A_236 = tpu.memref_slice %arg12[%run_scoped3A_217, %dma_wait3A_234, %dma_wait3A_235] : memref<2x64x128xf32, #tpu.memory_space<vmem>> -> memref<1x64x128xf32, #tpu.memory_space<vmem>>
        %dma_wait3A_237 = tpu.memref_squeeze %dma_wait3A_236 : memref<1x64x128xf32, #tpu.memory_space<vmem>> -> memref<64x128xf32, #tpu.memory_space<vmem>>
        %dma_wait3A_238 = arith.constant 0 : i32
        %dma_wait3A_239 = tpu.memref_slice %arg14[%mul3A_216, %dma_wait3A_238] : memref<10048x128xf32, #tpu.memory_space<vmem_shared>> -> memref<64x128xf32, #tpu.memory_space<vmem_shared>>
        %dma_wait3A_240 = arith.constant 0 : i32
        %dma_wait3A_241 = arith.constant 0 : i32
        %dma_wait3A_242 = tpu.memref_slice %arg12[%run_scoped3A_217, %dma_wait3A_240, %dma_wait3A_241] : memref<2x64x128xf32, #tpu.memory_space<vmem>> -> memref<1x64x128xf32, #tpu.memory_space<vmem>>
        %dma_wait3A_243 = tpu.memref_squeeze %dma_wait3A_242 : memref<1x64x128xf32, #tpu.memory_space<vmem>> -> memref<64x128xf32, #tpu.memory_space<vmem>>
        %dma_wait3A_244 = arith.constant 0 : i32
        %dma_wait3A_245 = tpu.memref_slice %arg14[%mul3A_216, %dma_wait3A_244] : memref<10048x128xf32, #tpu.memory_space<vmem_shared>> -> memref<64x128xf32, #tpu.memory_space<vmem_shared>>
        tpu.wait_dma2 semaphore(%run_scoped3A_221 : memref<!tpu.dma_semaphore, #tpu.memory_space<semaphore_mem>>) src(%dma_wait3A_245 : memref<64x128xf32, #tpu.memory_space<vmem_shared>>) dst(%dma_wait3A_243 : memref<64x128xf32, #tpu.memory_space<vmem>>)
        tpu.yield
      }) : () -> ()
      %mul3A_218 = arith.constant 64 : i32
      %mul3A_219 = arith.muli %add3A_214, %mul3A_218 : i32
      %run_scoped3A_220 = arith.constant 0 : i32
      "tpu.region"() ({
        %run_scoped3A_221 = tpu.sem_alloc : memref<!tpu.dma_semaphore, #tpu.memory_space<semaphore_mem>>
        %dma_start3A_222 = arith.constant 0 : i32
        %dma_start3A_223 = arith.constant 0 : i32
        %dma_start3A_224 = tpu.memref_slice %arg12[%run_scoped3A_220, %dma_start3A_222, %dma_start3A_223] : memref<2x64x128xf32, #tpu.memory_space<vmem>> -> memref<1x64x128xf32, #tpu.memory_space<vmem>>
        %dma_start3A_225 = tpu.memref_squeeze %dma_start3A_224 : memref<1x64x128xf32, #tpu.memory_space<vmem>> -> memref<64x128xf32, #tpu.memory_space<vmem>>
        %dma_start3A_226 = arith.constant 0 : i32
        %dma_start3A_227 = tpu.memref_slice %arg6[%arg0, %mul3A_219, %dma_start3A_226] : memref<2x10048x128xf32, #tpu.memory_space<hbm>> -> memref<1x64x128xf32, #tpu.memory_space<hbm>>
        %dma_start3A_228 = tpu.memref_squeeze %dma_start3A_227 : memref<1x64x128xf32, #tpu.memory_space<hbm>> -> memref<64x128xf32, #tpu.memory_space<hbm>>
        %dma_start3A_229 = arith.constant 0 : i32
        %dma_start3A_230 = tpu.memref_slice %arg6[%arg0, %mul3A_219, %dma_start3A_229] : memref<2x10048x128xf32, #tpu.memory_space<hbm>> -> memref<1x64x128xf32, #tpu.memory_space<hbm>>
        %dma_start3A_231 = tpu.memref_squeeze %dma_start3A_230 : memref<1x64x128xf32, #tpu.memory_space<hbm>> -> memref<64x128xf32, #tpu.memory_space<hbm>>
        %dma_start3A_232 = arith.constant 0 : i32
        %dma_start3A_233 = arith.constant 0 : i32
        %dma_start3A_234 = tpu.memref_slice %arg12[%run_scoped3A_220, %dma_start3A_232, %dma_start3A_233] : memref<2x64x128xf32, #tpu.memory_space<vmem>> -> memref<1x64x128xf32, #tpu.memory_space<vmem>>
        %dma_start3A_235 = tpu.memref_squeeze %dma_start3A_234 : memref<1x64x128xf32, #tpu.memory_space<vmem>> -> memref<64x128xf32, #tpu.memory_space<vmem>>
        tpu.enqueue_dma source(%dma_start3A_235 : memref<64x128xf32, #tpu.memory_space<vmem>>) target(%dma_start3A_231 : memref<64x128xf32, #tpu.memory_space<hbm>>) target_semaphore(%run_scoped3A_221 : memref<!tpu.dma_semaphore, #tpu.memory_space<semaphore_mem>>)
        %dma_wait3A_236 = arith.constant 0 : i32
        %dma_wait3A_237 = arith.constant 0 : i32
        %dma_wait3A_238 = tpu.memref_slice %arg12[%run_scoped3A_220, %dma_wait3A_236, %dma_wait3A_237] : memref<2x64x128xf32, #tpu.memory_space<vmem>> -> memref<1x64x128xf32, #tpu.memory_space<vmem>>
        %dma_wait3A_239 = tpu.memref_squeeze %dma_wait3A_238 : memref<1x64x128xf32, #tpu.memory_space<vmem>> -> memref<64x128xf32, #tpu.memory_space<vmem>>
        %dma_wait3A_240 = arith.constant 0 : i32
        %dma_wait3A_241 = tpu.memref_slice %arg6[%arg0, %mul3A_219, %dma_wait3A_240] : memref<2x10048x128xf32, #tpu.memory_space<hbm>> -> memref<1x64x128xf32, #tpu.memory_space<hbm>>
        %dma_wait3A_242 = tpu.memref_squeeze %dma_wait3A_241 : memref<1x64x128xf32, #tpu.memory_space<hbm>> -> memref<64x128xf32, #tpu.memory_space<hbm>>
        %dma_wait3A_243 = arith.constant 0 : i32
        %dma_wait3A_244 = tpu.memref_slice %arg6[%arg0, %mul3A_219, %dma_wait3A_243] : memref<2x10048x128xf32, #tpu.memory_space<hbm>> -> memref<1x64x128xf32, #tpu.memory_space<hbm>>
        %dma_wait3A_245 = tpu.memref_squeeze %dma_wait3A_244 : memref<1x64x128xf32, #tpu.memory_space<hbm>> -> memref<64x128xf32, #tpu.memory_space<hbm>>
        %dma_wait3A_246 = arith.constant 0 : i32
        %dma_wait3A_247 = arith.constant 0 : i32
        %dma_wait3A_248 = tpu.memref_slice %arg12[%run_scoped3A_220, %dma_wait3A_246, %dma_wait3A_247] : memref<2x64x128xf32, #tpu.memory_space<vmem>> -> memref<1x64x128xf32, #tpu.memory_space<vmem>>
        %dma_wait3A_249 = tpu.memref_squeeze %dma_wait3A_248 : memref<1x64x128xf32, #tpu.memory_space<vmem>> -> memref<64x128xf32, #tpu.memory_space<vmem>>
        tpu.wait_dma2 semaphore(%run_scoped3A_221 : memref<!tpu.dma_semaphore, #tpu.memory_space<semaphore_mem>>) src(%dma_wait3A_249 : memref<64x128xf32, #tpu.memory_space<vmem>>) dst(%dma_wait3A_245 : memref<64x128xf32, #tpu.memory_space<hbm>>)
        tpu.yield
      }) : () -> ()
    }
    %while3A_193 = arith.constant 1 : i32
    scf.for %while3A_212 = %while3A_191 to %while3A_187 step %while3A_193  : i32 {
      %mul3A_213 = arith.muli %while3A_212, %while3A_184 : i32
      %add3A_214 = arith.addi %arg1, %mul3A_213 : i32
      %mul3A_215 = arith.constant 64 : i32
      %mul3A_216 = arith.muli %add3A_214, %mul3A_215 : i32
      %run_scoped3A_217 = arith.constant 0 : i32
      "tpu.region"() ({
        %run_scoped3A_221 = tpu.sem_alloc : memref<!tpu.dma_semaphore, #tpu.memory_space<semaphore_mem>>
        %dma_start3A_222 = arith.constant 0 : i32
        %dma_start3A_223 = arith.constant 0 : i32
        %dma_start3A_224 = tpu.memref_slice %arg12[%run_scoped3A_217, %dma_start3A_222, %dma_start3A_223] : memref<2x64x128xf32, #tpu.memory_space<vmem>> -> memref<1x64x128xf32, #tpu.memory_space<vmem>>
        %dma_start3A_225 = tpu.memref_squeeze %dma_start3A_224 : memref<1x64x128xf32, #tpu.memory_space<vmem>> -> memref<64x128xf32, #tpu.memory_space<vmem>>
        %dma_start3A_226 = arith.constant 0 : i32
        %dma_start3A_227 = tpu.memref_slice %arg14[%mul3A_216, %dma_start3A_226] : memref<10048x128xf32, #tpu.memory_space<vmem_shared>> -> memref<64x128xf32, #tpu.memory_space<vmem_shared>>
        %dma_start3A_228 = arith.constant 0 : i32
        %dma_start3A_229 = arith.constant 0 : i32
        %dma_start3A_230 = tpu.memref_slice %arg12[%run_scoped3A_217, %dma_start3A_228, %dma_start3A_229] : memref<2x64x128xf32, #tpu.memory_space<vmem>> -> memref<1x64x128xf32, #tpu.memory_space<vmem>>
        %dma_start3A_231 = tpu.memref_squeeze %dma_start3A_230 : memref<1x64x128xf32, #tpu.memory_space<vmem>> -> memref<64x128xf32, #tpu.memory_space<vmem>>
        %dma_start3A_232 = arith.constant 0 : i32
        %dma_start3A_233 = tpu.memref_slice %arg14[%mul3A_216, %dma_start3A_232] : memref<10048x128xf32, #tpu.memory_space<vmem_shared>> -> memref<64x128xf32, #tpu.memory_space<vmem_shared>>
        tpu.enqueue_dma source(%dma_start3A_233 : memref<64x128xf32, #tpu.memory_space<vmem_shared>>) target(%dma_start3A_231 : memref<64x128xf32, #tpu.memory_space<vmem>>) target_semaphore(%run_scoped3A_221 : memref<!tpu.dma_semaphore, #tpu.memory_space<semaphore_mem>>)
        %dma_wait3A_234 = arith.constant 0 : i32
        %dma_wait3A_235 = arith.constant 0 : i32
        %dma_wait3A_236 = tpu.memref_slice %arg12[%run_scoped3A_217, %dma_wait3A_234, %dma_wait3A_235] : memref<2x64x128xf32, #tpu.memory_space<vmem>> -> memref<1x64x128xf32, #tpu.memory_space<vmem>>
        %dma_wait3A_237 = tpu.memref_squeeze %dma_wait3A_236 : memref<1x64x128xf32, #tpu.memory_space<vmem>> -> memref<64x128xf32, #tpu.memory_space<vmem>>
        %dma_wait3A_238 = arith.constant 0 : i32
        %dma_wait3A_239 = tpu.memref_slice %arg14[%mul3A_216, %dma_wait3A_238] : memref<10048x128xf32, #tpu.memory_space<vmem_shared>> -> memref<64x128xf32, #tpu.memory_space<vmem_shared>>
        %dma_wait3A_240 = arith.constant 0 : i32
        %dma_wait3A_241 = arith.constant 0 : i32
        %dma_wait3A_242 = tpu.memref_slice %arg12[%run_scoped3A_217, %dma_wait3A_240, %dma_wait3A_241] : memref<2x64x128xf32, #tpu.memory_space<vmem>> -> memref<1x64x128xf32, #tpu.memory_space<vmem>>
        %dma_wait3A_243 = tpu.memref_squeeze %dma_wait3A_242 : memref<1x64x128xf32, #tpu.memory_space<vmem>> -> memref<64x128xf32, #tpu.memory_space<vmem>>
        %dma_wait3A_244 = arith.constant 0 : i32
        %dma_wait3A_245 = tpu.memref_slice %arg14[%mul3A_216, %dma_wait3A_244] : memref<10048x128xf32, #tpu.memory_space<vmem_shared>> -> memref<64x128xf32, #tpu.memory_space<vmem_shared>>
        tpu.wait_dma2 semaphore(%run_scoped3A_221 : memref<!tpu.dma_semaphore, #tpu.memory_space<semaphore_mem>>) src(%dma_wait3A_245 : memref<64x128xf32, #tpu.memory_space<vmem_shared>>) dst(%dma_wait3A_243 : memref<64x128xf32, #tpu.memory_space<vmem>>)
        tpu.yield
      }) : () -> ()
      %mul3A_218 = arith.constant 64 : i32
      %mul3A_219 = arith.muli %add3A_214, %mul3A_218 : i32
      %run_scoped3A_220 = arith.constant 0 : i32
      "tpu.region"() ({
        %run_scoped3A_221 = tpu.sem_alloc : memref<!tpu.dma_semaphore, #tpu.memory_space<semaphore_mem>>
        %dma_start3A_222 = arith.constant 0 : i32
        %dma_start3A_223 = arith.constant 0 : i32
        %dma_start3A_224 = tpu.memref_slice %arg12[%run_scoped3A_220, %dma_start3A_222, %dma_start3A_223] : memref<2x64x128xf32, #tpu.memory_space<vmem>> -> memref<1x64x128xf32, #tpu.memory_space<vmem>>
        %dma_start3A_225 = tpu.memref_squeeze %dma_start3A_224 : memref<1x64x128xf32, #tpu.memory_space<vmem>> -> memref<64x128xf32, #tpu.memory_space<vmem>>
        %dma_start3A_226 = arith.constant 0 : i32
        %dma_start3A_227 = tpu.memref_slice %arg6[%arg0, %mul3A_219, %dma_start3A_226] : memref<2x10048x128xf32, #tpu.memory_space<hbm>> -> memref<1x64x128xf32, #tpu.memory_space<hbm>>
        %dma_start3A_228 = tpu.memref_squeeze %dma_start3A_227 : memref<1x64x128xf32, #tpu.memory_space<hbm>> -> memref<64x128xf32, #tpu.memory_space<hbm>>
        %dma_start3A_229 = arith.constant 0 : i32
        %dma_start3A_230 = tpu.memref_slice %arg6[%arg0, %mul3A_219, %dma_start3A_229] : memref<2x10048x128xf32, #tpu.memory_space<hbm>> -> memref<1x64x128xf32, #tpu.memory_space<hbm>>
        %dma_start3A_231 = tpu.memref_squeeze %dma_start3A_230 : memref<1x64x128xf32, #tpu.memory_space<hbm>> -> memref<64x128xf32, #tpu.memory_space<hbm>>
        %dma_start3A_232 = arith.constant 0 : i32
        %dma_start3A_233 = arith.constant 0 : i32
        %dma_start3A_234 = tpu.memref_slice %arg12[%run_scoped3A_220, %dma_start3A_232, %dma_start3A_233] : memref<2x64x128xf32, #tpu.memory_space<vmem>> -> memref<1x64x128xf32, #tpu.memory_space<vmem>>
        %dma_start3A_235 = tpu.memref_squeeze %dma_start3A_234 : memref<1x64x128xf32, #tpu.memory_space<vmem>> -> memref<64x128xf32, #tpu.memory_space<vmem>>
        tpu.enqueue_dma source(%dma_start3A_235 : memref<64x128xf32, #tpu.memory_space<vmem>>) target(%dma_start3A_231 : memref<64x128xf32, #tpu.memory_space<hbm>>) target_semaphore(%run_scoped3A_221 : memref<!tpu.dma_semaphore, #tpu.memory_space<semaphore_mem>>)
        %dma_wait3A_236 = arith.constant 0 : i32
        %dma_wait3A_237 = arith.constant 0 : i32
        %dma_wait3A_238 = tpu.memref_slice %arg12[%run_scoped3A_220, %dma_wait3A_236, %dma_wait3A_237] : memref<2x64x128xf32, #tpu.memory_space<vmem>> -> memref<1x64x128xf32, #tpu.memory_space<vmem>>
        %dma_wait3A_239 = tpu.memref_squeeze %dma_wait3A_238 : memref<1x64x128xf32, #tpu.memory_space<vmem>> -> memref<64x128xf32, #tpu.memory_space<vmem>>
        %dma_wait3A_240 = arith.constant 0 : i32
        %dma_wait3A_241 = tpu.memref_slice %arg6[%arg0, %mul3A_219, %dma_wait3A_240] : memref<2x10048x128xf32, #tpu.memory_space<hbm>> -> memref<1x64x128xf32, #tpu.memory_space<hbm>>
        %dma_wait3A_242 = tpu.memref_squeeze %dma_wait3A_241 : memref<1x64x128xf32, #tpu.memory_space<hbm>> -> memref<64x128xf32, #tpu.memory_space<hbm>>
        %dma_wait3A_243 = arith.constant 0 : i32
        %dma_wait3A_244 = tpu.memref_slice %arg6[%arg0, %mul3A_219, %dma_wait3A_243] : memref<2x10048x128xf32, #tpu.memory_space<hbm>> -> memref<1x64x128xf32, #tpu.memory_space<hbm>>
        %dma_wait3A_245 = tpu.memref_squeeze %dma_wait3A_244 : memref<1x64x128xf32, #tpu.memory_space<hbm>> -> memref<64x128xf32, #tpu.memory_space<hbm>>
        %dma_wait3A_246 = arith.constant 0 : i32
        %dma_wait3A_247 = arith.constant 0 : i32
        %dma_wait3A_248 = tpu.memref_slice %arg12[%run_scoped3A_220, %dma_wait3A_246, %dma_wait3A_247] : memref<2x64x128xf32, #tpu.memory_space<vmem>> -> memref<1x64x128xf32, #tpu.memory_space<vmem>>
        %dma_wait3A_249 = tpu.memref_squeeze %dma_wait3A_248 : memref<1x64x128xf32, #tpu.memory_space<vmem>> -> memref<64x128xf32, #tpu.memory_space<vmem>>
        tpu.wait_dma2 semaphore(%run_scoped3A_221 : memref<!tpu.dma_semaphore, #tpu.memory_space<semaphore_mem>>) src(%dma_wait3A_249 : memref<64x128xf32, #tpu.memory_space<vmem>>) dst(%dma_wait3A_245 : memref<64x128xf32, #tpu.memory_space<hbm>>)
        tpu.yield
      }) : () -> ()
    }
    %sub3A_194 = arith.constant 10 : i32
    %sub3A_195 = arith.subi %sub3A_194, %arg1 : i32
    %sub3A_196 = arith.constant 16 : i32
    %sub3A_197 = arith.constant 1 : i32
    %sub3A_198 = arith.subi %sub3A_196, %sub3A_197 : i32
    %add3A_199 = arith.addi %sub3A_195, %sub3A_198 : i32
    %div3A_200 = arith.constant 16 : i32
    %div3A_201 = arith.divsi %add3A_199, %div3A_200 : i32
    %while3A_202 = arith.constant 16 : i32
    %while3A_203 = arith.constant 0 : i32
    %while3A_204 = arith.subi %div3A_201, %while3A_203 : i32
    %while3A_205 = arith.addi %while3A_203, %while3A_204 : i32
    %while3A_206 = arith.constant 1 : i32
    %while3A_207 = arith.divsi %while3A_204, %while3A_206 : i32
    %while3A_208 = arith.muli %while3A_207, %while3A_206 : i32
    %while3A_209 = arith.addi %while3A_203, %while3A_208 : i32
    %while3A_210 = arith.constant 1 : i32
    scf.for %while3A_212 = %while3A_203 to %while3A_209 step %while3A_210  : i32 {
      %mul3A_213 = arith.muli %while3A_212, %while3A_202 : i32
      %add3A_214 = arith.addi %arg1, %mul3A_213 : i32
      %mul3A_215 = arith.constant 8 : i32
      %mul3A_216 = arith.muli %add3A_214, %mul3A_215 : i32
      %run_scoped3A_217 = arith.constant 1 : i32
      "tpu.region"() ({
        %run_scoped3A_221 = tpu.sem_alloc : memref<!tpu.dma_semaphore, #tpu.memory_space<semaphore_mem>>
        %dma_start3A_222 = arith.constant 0 : i32
        %dma_start3A_223 = arith.constant 0 : i32
        %dma_start3A_224 = tpu.memref_slice %arg12[%run_scoped3A_217, %dma_start3A_222, %dma_start3A_223] : memref<2x64x128xf32, #tpu.memory_space<vmem>> -> memref<1x8x128xf32, #tpu.memory_space<vmem>>
        %dma_start3A_225 = tpu.memref_squeeze %dma_start3A_224 : memref<1x8x128xf32, #tpu.memory_space<vmem>> -> memref<8x128xf32, #tpu.memory_space<vmem>>
        %dma_start3A_226 = arith.constant 0 : i32
        %dma_start3A_227 = tpu.memref_slice %arg15[%mul3A_216, %dma_start3A_226] : memref<80x128xf32, #tpu.memory_space<vmem_shared>> -> memref<8x128xf32, #tpu.memory_space<vmem_shared>>
        %dma_start3A_228 = arith.constant 0 : i32
        %dma_start3A_229 = arith.constant 0 : i32
        %dma_start3A_230 = tpu.memref_slice %arg12[%run_scoped3A_217, %dma_start3A_228, %dma_start3A_229] : memref<2x64x128xf32, #tpu.memory_space<vmem>> -> memref<1x8x128xf32, #tpu.memory_space<vmem>>
        %dma_start3A_231 = tpu.memref_squeeze %dma_start3A_230 : memref<1x8x128xf32, #tpu.memory_space<vmem>> -> memref<8x128xf32, #tpu.memory_space<vmem>>
        %dma_start3A_232 = arith.constant 0 : i32
        %dma_start3A_233 = tpu.memref_slice %arg15[%mul3A_216, %dma_start3A_232] : memref<80x128xf32, #tpu.memory_space<vmem_shared>> -> memref<8x128xf32, #tpu.memory_space<vmem_shared>>
        tpu.enqueue_dma source(%dma_start3A_233 : memref<8x128xf32, #tpu.memory_space<vmem_shared>>) target(%dma_start3A_231 : memref<8x128xf32, #tpu.memory_space<vmem>>) target_semaphore(%run_scoped3A_221 : memref<!tpu.dma_semaphore, #tpu.memory_space<semaphore_mem>>)
        %dma_wait3A_234 = arith.constant 0 : i32
        %dma_wait3A_235 = arith.constant 0 : i32
        %dma_wait3A_236 = tpu.memref_slice %arg12[%run_scoped3A_217, %dma_wait3A_234, %dma_wait3A_235] : memref<2x64x128xf32, #tpu.memory_space<vmem>> -> memref<1x8x128xf32, #tpu.memory_space<vmem>>
        %dma_wait3A_237 = tpu.memref_squeeze %dma_wait3A_236 : memref<1x8x128xf32, #tpu.memory_space<vmem>> -> memref<8x128xf32, #tpu.memory_space<vmem>>
        %dma_wait3A_238 = arith.constant 0 : i32
        %dma_wait3A_239 = tpu.memref_slice %arg15[%mul3A_216, %dma_wait3A_238] : memref<80x128xf32, #tpu.memory_space<vmem_shared>> -> memref<8x128xf32, #tpu.memory_space<vmem_shared>>
        %dma_wait3A_240 = arith.constant 0 : i32
        %dma_wait3A_241 = arith.constant 0 : i32
        %dma_wait3A_242 = tpu.memref_slice %arg12[%run_scoped3A_217, %dma_wait3A_240, %dma_wait3A_241] : memref<2x64x128xf32, #tpu.memory_space<vmem>> -> memref<1x8x128xf32, #tpu.memory_space<vmem>>
        %dma_wait3A_243 = tpu.memref_squeeze %dma_wait3A_242 : memref<1x8x128xf32, #tpu.memory_space<vmem>> -> memref<8x128xf32, #tpu.memory_space<vmem>>
        %dma_wait3A_244 = arith.constant 0 : i32
        %dma_wait3A_245 = tpu.memref_slice %arg15[%mul3A_216, %dma_wait3A_244] : memref<80x128xf32, #tpu.memory_space<vmem_shared>> -> memref<8x128xf32, #tpu.memory_space<vmem_shared>>
        tpu.wait_dma2 semaphore(%run_scoped3A_221 : memref<!tpu.dma_semaphore, #tpu.memory_space<semaphore_mem>>) src(%dma_wait3A_245 : memref<8x128xf32, #tpu.memory_space<vmem_shared>>) dst(%dma_wait3A_243 : memref<8x128xf32, #tpu.memory_space<vmem>>)
        tpu.yield
      }) : () -> ()
      %mul3A_218 = arith.constant 8 : i32
      %mul3A_219 = arith.muli %add3A_214, %mul3A_218 : i32
      %run_scoped3A_220 = arith.constant 1 : i32
      "tpu.region"() ({
        %run_scoped3A_221 = tpu.sem_alloc : memref<!tpu.dma_semaphore, #tpu.memory_space<semaphore_mem>>
        %dma_start3A_222 = arith.constant 0 : i32
        %dma_start3A_223 = arith.constant 0 : i32
        %dma_start3A_224 = tpu.memref_slice %arg12[%run_scoped3A_220, %dma_start3A_222, %dma_start3A_223] : memref<2x64x128xf32, #tpu.memory_space<vmem>> -> memref<1x8x128xf32, #tpu.memory_space<vmem>>
        %dma_start3A_225 = tpu.memref_squeeze %dma_start3A_224 : memref<1x8x128xf32, #tpu.memory_space<vmem>> -> memref<8x128xf32, #tpu.memory_space<vmem>>
        %dma_start3A_226 = arith.constant 0 : i32
        %dma_start3A_227 = tpu.memref_slice %arg7[%arg0, %mul3A_219, %dma_start3A_226] : memref<2x80x128xf32, #tpu.memory_space<hbm>> -> memref<1x8x128xf32, #tpu.memory_space<hbm>>
        %dma_start3A_228 = tpu.memref_squeeze %dma_start3A_227 : memref<1x8x128xf32, #tpu.memory_space<hbm>> -> memref<8x128xf32, #tpu.memory_space<hbm>>
        %dma_start3A_229 = arith.constant 0 : i32
        %dma_start3A_230 = tpu.memref_slice %arg7[%arg0, %mul3A_219, %dma_start3A_229] : memref<2x80x128xf32, #tpu.memory_space<hbm>> -> memref<1x8x128xf32, #tpu.memory_space<hbm>>
        %dma_start3A_231 = tpu.memref_squeeze %dma_start3A_230 : memref<1x8x128xf32, #tpu.memory_space<hbm>> -> memref<8x128xf32, #tpu.memory_space<hbm>>
        %dma_start3A_232 = arith.constant 0 : i32
        %dma_start3A_233 = arith.constant 0 : i32
        %dma_start3A_234 = tpu.memref_slice %arg12[%run_scoped3A_220, %dma_start3A_232, %dma_start3A_233] : memref<2x64x128xf32, #tpu.memory_space<vmem>> -> memref<1x8x128xf32, #tpu.memory_space<vmem>>
        %dma_start3A_235 = tpu.memref_squeeze %dma_start3A_234 : memref<1x8x128xf32, #tpu.memory_space<vmem>> -> memref<8x128xf32, #tpu.memory_space<vmem>>
        tpu.enqueue_dma source(%dma_start3A_235 : memref<8x128xf32, #tpu.memory_space<vmem>>) target(%dma_start3A_231 : memref<8x128xf32, #tpu.memory_space<hbm>>) target_semaphore(%run_scoped3A_221 : memref<!tpu.dma_semaphore, #tpu.memory_space<semaphore_mem>>)
        %dma_wait3A_236 = arith.constant 0 : i32
        %dma_wait3A_237 = arith.constant 0 : i32
        %dma_wait3A_238 = tpu.memref_slice %arg12[%run_scoped3A_220, %dma_wait3A_236, %dma_wait3A_237] : memref<2x64x128xf32, #tpu.memory_space<vmem>> -> memref<1x8x128xf32, #tpu.memory_space<vmem>>
        %dma_wait3A_239 = tpu.memref_squeeze %dma_wait3A_238 : memref<1x8x128xf32, #tpu.memory_space<vmem>> -> memref<8x128xf32, #tpu.memory_space<vmem>>
        %dma_wait3A_240 = arith.constant 0 : i32
        %dma_wait3A_241 = tpu.memref_slice %arg7[%arg0, %mul3A_219, %dma_wait3A_240] : memref<2x80x128xf32, #tpu.memory_space<hbm>> -> memref<1x8x128xf32, #tpu.memory_space<hbm>>
        %dma_wait3A_242 = tpu.memref_squeeze %dma_wait3A_241 : memref<1x8x128xf32, #tpu.memory_space<hbm>> -> memref<8x128xf32, #tpu.memory_space<hbm>>
        %dma_wait3A_243 = arith.constant 0 : i32
        %dma_wait3A_244 = tpu.memref_slice %arg7[%arg0, %mul3A_219, %dma_wait3A_243] : memref<2x80x128xf32, #tpu.memory_space<hbm>> -> memref<1x8x128xf32, #tpu.memory_space<hbm>>
        %dma_wait3A_245 = tpu.memref_squeeze %dma_wait3A_244 : memref<1x8x128xf32, #tpu.memory_space<hbm>> -> memref<8x128xf32, #tpu.memory_space<hbm>>
        %dma_wait3A_246 = arith.constant 0 : i32
        %dma_wait3A_247 = arith.constant 0 : i32
        %dma_wait3A_248 = tpu.memref_slice %arg12[%run_scoped3A_220, %dma_wait3A_246, %dma_wait3A_247] : memref<2x64x128xf32, #tpu.memory_space<vmem>> -> memref<1x8x128xf32, #tpu.memory_space<vmem>>
        %dma_wait3A_249 = tpu.memref_squeeze %dma_wait3A_248 : memref<1x8x128xf32, #tpu.memory_space<vmem>> -> memref<8x128xf32, #tpu.memory_space<vmem>>
        tpu.wait_dma2 semaphore(%run_scoped3A_221 : memref<!tpu.dma_semaphore, #tpu.memory_space<semaphore_mem>>) src(%dma_wait3A_249 : memref<8x128xf32, #tpu.memory_space<vmem>>) dst(%dma_wait3A_245 : memref<8x128xf32, #tpu.memory_space<hbm>>)
        tpu.yield
      }) : () -> ()
    }
    %while3A_211 = arith.constant 1 : i32
    scf.for %while3A_212 = %while3A_209 to %while3A_205 step %while3A_211  : i32 {
      %mul3A_213 = arith.muli %while3A_212, %while3A_202 : i32
      %add3A_214 = arith.addi %arg1, %mul3A_213 : i32
      %mul3A_215 = arith.constant 8 : i32
      %mul3A_216 = arith.muli %add3A_214, %mul3A_215 : i32
      %run_scoped3A_217 = arith.constant 1 : i32
      "tpu.region"() ({
        %run_scoped3A_221 = tpu.sem_alloc : memref<!tpu.dma_semaphore, #tpu.memory_space<semaphore_mem>>
        %dma_start3A_222 = arith.constant 0 : i32
        %dma_start3A_223 = arith.constant 0 : i32
        %dma_start3A_224 = tpu.memref_slice %arg12[%run_scoped3A_217, %dma_start3A_222, %dma_start3A_223] : memref<2x64x128xf32, #tpu.memory_space<vmem>> -> memref<1x8x128xf32, #tpu.memory_space<vmem>>
        %dma_start3A_225 = tpu.memref_squeeze %dma_start3A_224 : memref<1x8x128xf32, #tpu.memory_space<vmem>> -> memref<8x128xf32, #tpu.memory_space<vmem>>
        %dma_start3A_226 = arith.constant 0 : i32
        %dma_start3A_227 = tpu.memref_slice %arg15[%mul3A_216, %dma_start3A_226] : memref<80x128xf32, #tpu.memory_space<vmem_shared>> -> memref<8x128xf32, #tpu.memory_space<vmem_shared>>
        %dma_start3A_228 = arith.constant 0 : i32
        %dma_start3A_229 = arith.constant 0 : i32
        %dma_start3A_230 = tpu.memref_slice %arg12[%run_scoped3A_217, %dma_start3A_228, %dma_start3A_229] : memref<2x64x128xf32, #tpu.memory_space<vmem>> -> memref<1x8x128xf32, #tpu.memory_space<vmem>>
        %dma_start3A_231 = tpu.memref_squeeze %dma_start3A_230 : memref<1x8x128xf32, #tpu.memory_space<vmem>> -> memref<8x128xf32, #tpu.memory_space<vmem>>
        %dma_start3A_232 = arith.constant 0 : i32
        %dma_start3A_233 = tpu.memref_slice %arg15[%mul3A_216, %dma_start3A_232] : memref<80x128xf32, #tpu.memory_space<vmem_shared>> -> memref<8x128xf32, #tpu.memory_space<vmem_shared>>
        tpu.enqueue_dma source(%dma_start3A_233 : memref<8x128xf32, #tpu.memory_space<vmem_shared>>) target(%dma_start3A_231 : memref<8x128xf32, #tpu.memory_space<vmem>>) target_semaphore(%run_scoped3A_221 : memref<!tpu.dma_semaphore, #tpu.memory_space<semaphore_mem>>)
        %dma_wait3A_234 = arith.constant 0 : i32
        %dma_wait3A_235 = arith.constant 0 : i32
        %dma_wait3A_236 = tpu.memref_slice %arg12[%run_scoped3A_217, %dma_wait3A_234, %dma_wait3A_235] : memref<2x64x128xf32, #tpu.memory_space<vmem>> -> memref<1x8x128xf32, #tpu.memory_space<vmem>>
        %dma_wait3A_237 = tpu.memref_squeeze %dma_wait3A_236 : memref<1x8x128xf32, #tpu.memory_space<vmem>> -> memref<8x128xf32, #tpu.memory_space<vmem>>
        %dma_wait3A_238 = arith.constant 0 : i32
        %dma_wait3A_239 = tpu.memref_slice %arg15[%mul3A_216, %dma_wait3A_238] : memref<80x128xf32, #tpu.memory_space<vmem_shared>> -> memref<8x128xf32, #tpu.memory_space<vmem_shared>>
        %dma_wait3A_240 = arith.constant 0 : i32
        %dma_wait3A_241 = arith.constant 0 : i32
        %dma_wait3A_242 = tpu.memref_slice %arg12[%run_scoped3A_217, %dma_wait3A_240, %dma_wait3A_241] : memref<2x64x128xf32, #tpu.memory_space<vmem>> -> memref<1x8x128xf32, #tpu.memory_space<vmem>>
        %dma_wait3A_243 = tpu.memref_squeeze %dma_wait3A_242 : memref<1x8x128xf32, #tpu.memory_space<vmem>> -> memref<8x128xf32, #tpu.memory_space<vmem>>
        %dma_wait3A_244 = arith.constant 0 : i32
        %dma_wait3A_245 = tpu.memref_slice %arg15[%mul3A_216, %dma_wait3A_244] : memref<80x128xf32, #tpu.memory_space<vmem_shared>> -> memref<8x128xf32, #tpu.memory_space<vmem_shared>>
        tpu.wait_dma2 semaphore(%run_scoped3A_221 : memref<!tpu.dma_semaphore, #tpu.memory_space<semaphore_mem>>) src(%dma_wait3A_245 : memref<8x128xf32, #tpu.memory_space<vmem_shared>>) dst(%dma_wait3A_243 : memref<8x128xf32, #tpu.memory_space<vmem>>)
        tpu.yield
      }) : () -> ()
      %mul3A_218 = arith.constant 8 : i32
      %mul3A_219 = arith.muli %add3A_214, %mul3A_218 : i32
      %run_scoped3A_220 = arith.constant 1 : i32
      "tpu.region"() ({
        %run_scoped3A_221 = tpu.sem_alloc : memref<!tpu.dma_semaphore, #tpu.memory_space<semaphore_mem>>
        %dma_start3A_222 = arith.constant 0 : i32
        %dma_start3A_223 = arith.constant 0 : i32
        %dma_start3A_224 = tpu.memref_slice %arg12[%run_scoped3A_220, %dma_start3A_222, %dma_start3A_223] : memref<2x64x128xf32, #tpu.memory_space<vmem>> -> memref<1x8x128xf32, #tpu.memory_space<vmem>>
        %dma_start3A_225 = tpu.memref_squeeze %dma_start3A_224 : memref<1x8x128xf32, #tpu.memory_space<vmem>> -> memref<8x128xf32, #tpu.memory_space<vmem>>
        %dma_start3A_226 = arith.constant 0 : i32
        %dma_start3A_227 = tpu.memref_slice %arg7[%arg0, %mul3A_219, %dma_start3A_226] : memref<2x80x128xf32, #tpu.memory_space<hbm>> -> memref<1x8x128xf32, #tpu.memory_space<hbm>>
        %dma_start3A_228 = tpu.memref_squeeze %dma_start3A_227 : memref<1x8x128xf32, #tpu.memory_space<hbm>> -> memref<8x128xf32, #tpu.memory_space<hbm>>
        %dma_start3A_229 = arith.constant 0 : i32
        %dma_start3A_230 = tpu.memref_slice %arg7[%arg0, %mul3A_219, %dma_start3A_229] : memref<2x80x128xf32, #tpu.memory_space<hbm>> -> memref<1x8x128xf32, #tpu.memory_space<hbm>>
        %dma_start3A_231 = tpu.memref_squeeze %dma_start3A_230 : memref<1x8x128xf32, #tpu.memory_space<hbm>> -> memref<8x128xf32, #tpu.memory_space<hbm>>
        %dma_start3A_232 = arith.constant 0 : i32
        %dma_start3A_233 = arith.constant 0 : i32
        %dma_start3A_234 = tpu.memref_slice %arg12[%run_scoped3A_220, %dma_start3A_232, %dma_start3A_233] : memref<2x64x128xf32, #tpu.memory_space<vmem>> -> memref<1x8x128xf32, #tpu.memory_space<vmem>>
        %dma_start3A_235 = tpu.memref_squeeze %dma_start3A_234 : memref<1x8x128xf32, #tpu.memory_space<vmem>> -> memref<8x128xf32, #tpu.memory_space<vmem>>
        tpu.enqueue_dma source(%dma_start3A_235 : memref<8x128xf32, #tpu.memory_space<vmem>>) target(%dma_start3A_231 : memref<8x128xf32, #tpu.memory_space<hbm>>) target_semaphore(%run_scoped3A_221 : memref<!tpu.dma_semaphore, #tpu.memory_space<semaphore_mem>>)
        %dma_wait3A_236 = arith.constant 0 : i32
        %dma_wait3A_237 = arith.constant 0 : i32
        %dma_wait3A_238 = tpu.memref_slice %arg12[%run_scoped3A_220, %dma_wait3A_236, %dma_wait3A_237] : memref<2x64x128xf32, #tpu.memory_space<vmem>> -> memref<1x8x128xf32, #tpu.memory_space<vmem>>
        %dma_wait3A_239 = tpu.memref_squeeze %dma_wait3A_238 : memref<1x8x128xf32, #tpu.memory_space<vmem>> -> memref<8x128xf32, #tpu.memory_space<vmem>>
        %dma_wait3A_240 = arith.constant 0 : i32
        %dma_wait3A_241 = tpu.memref_slice %arg7[%arg0, %mul3A_219, %dma_wait3A_240] : memref<2x80x128xf32, #tpu.memory_space<hbm>> -> memref<1x8x128xf32, #tpu.memory_space<hbm>>
        %dma_wait3A_242 = tpu.memref_squeeze %dma_wait3A_241 : memref<1x8x128xf32, #tpu.memory_space<hbm>> -> memref<8x128xf32, #tpu.memory_space<hbm>>
        %dma_wait3A_243 = arith.constant 0 : i32
        %dma_wait3A_244 = tpu.memref_slice %arg7[%arg0, %mul3A_219, %dma_wait3A_243] : memref<2x80x128xf32, #tpu.memory_space<hbm>> -> memref<1x8x128xf32, #tpu.memory_space<hbm>>
        %dma_wait3A_245 = tpu.memref_squeeze %dma_wait3A_244 : memref<1x8x128xf32, #tpu.memory_space<hbm>> -> memref<8x128xf32, #tpu.memory_space<hbm>>
        %dma_wait3A_246 = arith.constant 0 : i32
        %dma_wait3A_247 = arith.constant 0 : i32
        %dma_wait3A_248 = tpu.memref_slice %arg12[%run_scoped3A_220, %dma_wait3A_246, %dma_wait3A_247] : memref<2x64x128xf32, #tpu.memory_space<vmem>> -> memref<1x8x128xf32, #tpu.memory_space<vmem>>
        %dma_wait3A_249 = tpu.memref_squeeze %dma_wait3A_248 : memref<1x8x128xf32, #tpu.memory_space<vmem>> -> memref<8x128xf32, #tpu.memory_space<vmem>>
        tpu.wait_dma2 semaphore(%run_scoped3A_221 : memref<!tpu.dma_semaphore, #tpu.memory_space<semaphore_mem>>) src(%dma_wait3A_249 : memref<8x128xf32, #tpu.memory_space<vmem>>) dst(%dma_wait3A_245 : memref<8x128xf32, #tpu.memory_space<hbm>>)
        tpu.yield
      }) : () -> ()
    }
    return
  }
}

module attributes {stable_mosaic.version = 14 : i64} {
  func.func @_dense_body(%arg0: i32, %arg1: memref<1000x128xf32, #tpu.memory_space<vmem>>, %arg2: memref<2x1000x128xf32, #tpu.memory_space<vmem>>, %arg3: memref<2x1000x1xf32, #tpu.memory_space<vmem>>, %arg4: memref<128x128xf32, #tpu.memory_space<vmem>>, %arg5: memref<1x128xf32, #tpu.memory_space<vmem>>, %arg6: memref<128x128xf32, #tpu.memory_space<vmem>>, %arg7: memref<1x128xf32, #tpu.memory_space<vmem>>, %arg8: memref<128x128xf32, #tpu.memory_space<vmem>>, %arg9: memref<1x128xf32, #tpu.memory_space<vmem>>, %arg10: memref<1x128xf32, #tpu.memory_space<vmem>>, %arg11: memref<1x128xf32, #tpu.memory_space<vmem>>, %arg12: memref<1000x128xf32, #tpu.memory_space<vmem>>) attributes {dimension_semantics = [#tpu.dimension_semantics<arbitrary>], iteration_bounds = array<i64: 10>, scalar_prefetch = 0 : i64, scratch_operands = 0 : i64, tpu.core_type = #tpu.core_type<tc>, window_params = [{transform_indices = @transform_0, window_bounds = array<i64: 1000, 128>}, {transform_indices = @transform_1, window_bounds = array<i64: 2, 1000, 128>}, {transform_indices = @transform_2, window_bounds = array<i64: 2, 1000, 1>}, {pipeline_mode = #tpu.pipeline_mode<synchronous>, transform_indices = @transform_3, window_bounds = array<i64: 128, 128>}, {pipeline_mode = #tpu.pipeline_mode<synchronous>, transform_indices = @transform_4, window_bounds = array<i64: 1, 128>}, {pipeline_mode = #tpu.pipeline_mode<synchronous>, transform_indices = @transform_5, window_bounds = array<i64: 128, 128>}, {pipeline_mode = #tpu.pipeline_mode<synchronous>, transform_indices = @transform_6, window_bounds = array<i64: 1, 128>}, {pipeline_mode = #tpu.pipeline_mode<synchronous>, transform_indices = @transform_7, window_bounds = array<i64: 128, 128>}, {pipeline_mode = #tpu.pipeline_mode<synchronous>, transform_indices = @transform_8, window_bounds = array<i64: 1, 128>}, {pipeline_mode = #tpu.pipeline_mode<synchronous>, transform_indices = @transform_9, window_bounds = array<i64: 1, 128>}, {pipeline_mode = #tpu.pipeline_mode<synchronous>, transform_indices = @transform_10, window_bounds = array<i64: 1, 128>}, {transform_indices = @transform_11, window_bounds = array<i64: 1000, 128>}]} {
    %get3A = arith.constant 0 : index
    %get3A_0 = arith.constant 0 : index
    %get3A_1 = vector.load %arg1[%get3A, %get3A_0] : memref<1000x128xf32, #tpu.memory_space<vmem>>, vector<1000x128xf32>
    %get3A_2 = arith.constant 0 : index
    %get3A_3 = arith.constant 0 : index
    %get3A_4 = arith.constant 0 : index
    %get3A_5 = vector.load %arg2[%get3A_2, %get3A_3, %get3A_4] : memref<2x1000x128xf32, #tpu.memory_space<vmem>>, vector<1x1000x128xf32>
    %get3A_6 = vector.shape_cast %get3A_5 : vector<1x1000x128xf32> to vector<1000x128xf32>
    %get3A_7 = arith.constant 1 : index
    %get3A_8 = arith.constant 0 : index
    %get3A_9 = arith.constant 0 : index
    %get3A_10 = vector.load %arg2[%get3A_7, %get3A_8, %get3A_9] : memref<2x1000x128xf32, #tpu.memory_space<vmem>>, vector<1x1000x128xf32>
    %get3A_11 = vector.shape_cast %get3A_10 : vector<1x1000x128xf32> to vector<1000x128xf32>
    %add3A = arith.addf %get3A_6, %get3A_11 : vector<1000x128xf32>
    %get3A_12 = arith.constant 0 : index
    %get3A_13 = arith.constant 0 : index
    %get3A_14 = arith.constant 0 : index
    %get3A_15 = vector.load %arg3[%get3A_12, %get3A_13, %get3A_14] : memref<2x1000x1xf32, #tpu.memory_space<vmem>>, vector<1x1000x1xf32>
    %get3A_16 = vector.shape_cast %get3A_15 : vector<1x1000x1xf32> to vector<1000x1xf32>
    %get3A_17 = arith.constant 1 : index
    %get3A_18 = arith.constant 0 : index
    %get3A_19 = arith.constant 0 : index
    %get3A_20 = vector.load %arg3[%get3A_17, %get3A_18, %get3A_19] : memref<2x1000x1xf32, #tpu.memory_space<vmem>>, vector<1x1000x1xf32>
    %get3A_21 = vector.shape_cast %get3A_20 : vector<1x1000x1xf32> to vector<1000x1xf32>
    %add3A_22 = arith.addf %get3A_16, %get3A_21 : vector<1000x1xf32>
    %get3A_23 = arith.constant 0 : index
    %get3A_24 = arith.constant 0 : index
    %get3A_25 = vector.load %arg4[%get3A_23, %get3A_24] : memref<128x128xf32, #tpu.memory_space<vmem>>, vector<128x128xf32>
    %dot_general3A = arith.constant dense<0.000000e+00> : vector<1000x128xf32>
    %dot_general3A_26 = tpu.matmul %get3A_1, %get3A_25, %dot_general3A {dimension_numbers = #tpu.dot_dimension_numbers<[1], [0], [0], [1], [0, 0, 1, 1], [], []>, transpose_lhs_hint = false} : vector<1000x128xf32>, vector<128x128xf32>, vector<1000x128xf32> -> vector<1000x128xf32>
    %get3A_27 = arith.constant 0 : index
    %get3A_28 = arith.constant 0 : index
    %get3A_29 = vector.load %arg5[%get3A_27, %get3A_28] : memref<1x128xf32, #tpu.memory_space<vmem>>, vector<1x128xf32>
    %add3A_30 = vector.broadcast %get3A_29 : vector<1x128xf32> to vector<1000x128xf32>
    %add3A_31 = arith.addf %dot_general3A_26, %add3A_30 : vector<1000x128xf32>
    %max3A = arith.constant 0.000000e+00 : f32
    %max3A_32 = vector.broadcast %max3A : f32 to vector<1000x128xf32>
    %max3A_33 = arith.maximumf %add3A_31, %max3A_32 : vector<1000x128xf32>
    %get3A_34 = arith.constant 0 : index
    %get3A_35 = arith.constant 0 : index
    %get3A_36 = vector.load %arg6[%get3A_34, %get3A_35] : memref<128x128xf32, #tpu.memory_space<vmem>>, vector<128x128xf32>
    %dot_general3A_37 = arith.constant dense<0.000000e+00> : vector<1000x128xf32>
    %dot_general3A_38 = tpu.matmul %max3A_33, %get3A_36, %dot_general3A_37 {dimension_numbers = #tpu.dot_dimension_numbers<[1], [0], [0], [1], [0, 0, 1, 1], [], []>, transpose_lhs_hint = false} : vector<1000x128xf32>, vector<128x128xf32>, vector<1000x128xf32> -> vector<1000x128xf32>
    %get3A_39 = arith.constant 0 : index
    %get3A_40 = arith.constant 0 : index
    %get3A_41 = vector.load %arg7[%get3A_39, %get3A_40] : memref<1x128xf32, #tpu.memory_space<vmem>>, vector<1x128xf32>
    %add3A_42 = vector.broadcast %get3A_41 : vector<1x128xf32> to vector<1000x128xf32>
    %add3A_43 = arith.addf %dot_general3A_38, %add3A_42 : vector<1000x128xf32>
    %mul3A = vector.broadcast %add3A_22 : vector<1000x1xf32> to vector<1000x128xf32>
    %mul3A_44 = arith.mulf %mul3A, %add3A_43 : vector<1000x128xf32>
    %sub3A = arith.subf %add3A, %mul3A_44 : vector<1000x128xf32>
    %max3A_45 = arith.constant 1.000000e+00 : f32
    %max3A_46 = vector.broadcast %max3A_45 : f32 to vector<1000x1xf32>
    %max3A_47 = arith.maximumf %add3A_22, %max3A_46 : vector<1000x1xf32>
    %div3A = vector.broadcast %max3A_47 : vector<1000x1xf32> to vector<1000x128xf32>
    %div3A_48 = arith.divf %sub3A, %div3A : vector<1000x128xf32>
    %get3A_49 = arith.constant 0 : index
    %get3A_50 = arith.constant 0 : index
    %get3A_51 = vector.load %arg8[%get3A_49, %get3A_50] : memref<128x128xf32, #tpu.memory_space<vmem>>, vector<128x128xf32>
    %dot_general3A_52 = arith.constant dense<0.000000e+00> : vector<1000x128xf32>
    %dot_general3A_53 = tpu.matmul %div3A_48, %get3A_51, %dot_general3A_52 {dimension_numbers = #tpu.dot_dimension_numbers<[1], [0], [0], [1], [0, 0, 1, 1], [], []>, transpose_lhs_hint = false} : vector<1000x128xf32>, vector<128x128xf32>, vector<1000x128xf32> -> vector<1000x128xf32>
    %get3A_54 = arith.constant 0 : index
    %get3A_55 = arith.constant 0 : index
    %get3A_56 = vector.load %arg9[%get3A_54, %get3A_55] : memref<1x128xf32, #tpu.memory_space<vmem>>, vector<1x128xf32>
    %add3A_57 = vector.broadcast %get3A_56 : vector<1x128xf32> to vector<1000x128xf32>
    %add3A_58 = arith.addf %dot_general3A_53, %add3A_57 : vector<1000x128xf32>
    %add3A_59 = arith.addf %get3A_1, %add3A_58 : vector<1000x128xf32>
    %reduce_sum3A = arith.constant dense<0.000000e+00> : vector<1000xf32>
    %reduce_sum3A_60 = vector.multi_reduction <add>, %add3A_59, %reduce_sum3A [1] : vector<1000x128xf32> to vector<1000xf32>
    %broadcast_in_dim3A = vector.shape_cast %reduce_sum3A_60 : vector<1000xf32> to vector<1000x1xf32>
    %div3A_61 = arith.constant 1.280000e+02 : f32
    %div3A_62 = vector.broadcast %div3A_61 : f32 to vector<1000x1xf32>
    %div3A_63 = arith.divf %broadcast_in_dim3A, %div3A_62 : vector<1000x1xf32>
    %sub3A_64 = vector.broadcast %div3A_63 : vector<1000x1xf32> to vector<1000x128xf32>
    %sub3A_65 = arith.subf %add3A_59, %sub3A_64 : vector<1000x128xf32>
    %sub3A_66 = vector.broadcast %div3A_63 : vector<1000x1xf32> to vector<1000x128xf32>
    %sub3A_67 = arith.subf %add3A_59, %sub3A_66 : vector<1000x128xf32>
    %mul3A_68 = arith.mulf %sub3A_65, %sub3A_67 : vector<1000x128xf32>
    %reduce_sum3A_69 = arith.constant dense<0.000000e+00> : vector<1000xf32>
    %reduce_sum3A_70 = vector.multi_reduction <add>, %mul3A_68, %reduce_sum3A_69 [1] : vector<1000x128xf32> to vector<1000xf32>
    %broadcast_in_dim3A_71 = vector.shape_cast %reduce_sum3A_70 : vector<1000xf32> to vector<1000x1xf32>
    %div3A_72 = arith.constant 1.280000e+02 : f32
    %div3A_73 = vector.broadcast %div3A_72 : f32 to vector<1000x1xf32>
    %div3A_74 = arith.divf %broadcast_in_dim3A_71, %div3A_73 : vector<1000x1xf32>
    %sub3A_75 = vector.broadcast %div3A_63 : vector<1000x1xf32> to vector<1000x128xf32>
    %sub3A_76 = arith.subf %add3A_59, %sub3A_75 : vector<1000x128xf32>
    %add3A_77 = arith.constant 9.99999974E-6 : f32
    %add3A_78 = vector.broadcast %add3A_77 : f32 to vector<1000x1xf32>
    %add3A_79 = arith.addf %div3A_74, %add3A_78 : vector<1000x1xf32>
    %rsqrt3A = math.rsqrt %add3A_79 : vector<1000x1xf32>
    %mul3A_80 = vector.broadcast %rsqrt3A : vector<1000x1xf32> to vector<1000x128xf32>
    %mul3A_81 = arith.mulf %sub3A_76, %mul3A_80 : vector<1000x128xf32>
    %get3A_82 = arith.constant 0 : index
    %get3A_83 = arith.constant 0 : index
    %get3A_84 = vector.load %arg10[%get3A_82, %get3A_83] : memref<1x128xf32, #tpu.memory_space<vmem>>, vector<1x128xf32>
    %mul3A_85 = vector.broadcast %get3A_84 : vector<1x128xf32> to vector<1000x128xf32>
    %mul3A_86 = arith.mulf %mul3A_81, %mul3A_85 : vector<1000x128xf32>
    %get3A_87 = arith.constant 0 : index
    %get3A_88 = arith.constant 0 : index
    %get3A_89 = vector.load %arg11[%get3A_87, %get3A_88] : memref<1x128xf32, #tpu.memory_space<vmem>>, vector<1x128xf32>
    %add3A_90 = vector.broadcast %get3A_89 : vector<1x128xf32> to vector<1000x128xf32>
    %add3A_91 = arith.addf %mul3A_86, %add3A_90 : vector<1000x128xf32>
    %swap3A = arith.constant 0 : index
    %swap3A_92 = arith.constant 0 : index
    %swap3A_93 = vector.load %arg12[%swap3A, %swap3A_92] : memref<1000x128xf32, #tpu.memory_space<vmem>>, vector<1000x128xf32>
    tpu.vector_store %arg12[%swap3A, %swap3A_92], %add3A_91 {strides = array<i32>} : memref<1000x128xf32, #tpu.memory_space<vmem>>, vector<1000x128xf32>,
    return
  }
  func.func @transform_0(%arg0: i32) -> (i32, i32) {
    %c0_i32 = arith.constant 0 : i32
    %c0_i32_0 = arith.constant 0 : i32
    return %arg0, %c0_i32 : i32, i32
  }
  func.func @transform_1(%arg0: i32) -> (i32, i32, i32) {
    %c0_i32 = arith.constant 0 : i32
    %c0_i32_0 = arith.constant 0 : i32
    %c0_i32_1 = arith.constant 0 : i32
    return %c0_i32, %arg0, %c0_i32_0 : i32, i32, i32
  }
  func.func @transform_2(%arg0: i32) -> (i32, i32, i32) {
    %c0_i32 = arith.constant 0 : i32
    %c0_i32_0 = arith.constant 0 : i32
    %c0_i32_1 = arith.constant 0 : i32
    return %c0_i32, %arg0, %c0_i32_0 : i32, i32, i32
  }
  func.func @transform_3(%arg0: i32) -> (i32, i32) {
    %c0_i32 = arith.constant 0 : i32
    %c0_i32_0 = arith.constant 0 : i32
    %c0_i32_1 = arith.constant 0 : i32
    return %c0_i32, %c0_i32_0 : i32, i32
  }
  func.func @transform_4(%arg0: i32) -> (i32, i32) {
    %c0_i32 = arith.constant 0 : i32
    %c0_i32_0 = arith.constant 0 : i32
    %c0_i32_1 = arith.constant 0 : i32
    return %c0_i32, %c0_i32_0 : i32, i32
  }
  func.func @transform_5(%arg0: i32) -> (i32, i32) {
    %c0_i32 = arith.constant 0 : i32
    %c0_i32_0 = arith.constant 0 : i32
    %c0_i32_1 = arith.constant 0 : i32
    return %c0_i32, %c0_i32_0 : i32, i32
  }
  func.func @transform_6(%arg0: i32) -> (i32, i32) {
    %c0_i32 = arith.constant 0 : i32
    %c0_i32_0 = arith.constant 0 : i32
    %c0_i32_1 = arith.constant 0 : i32
    return %c0_i32, %c0_i32_0 : i32, i32
  }
  func.func @transform_7(%arg0: i32) -> (i32, i32) {
    %c0_i32 = arith.constant 0 : i32
    %c0_i32_0 = arith.constant 0 : i32
    %c0_i32_1 = arith.constant 0 : i32
    return %c0_i32, %c0_i32_0 : i32, i32
  }
  func.func @transform_8(%arg0: i32) -> (i32, i32) {
    %c0_i32 = arith.constant 0 : i32
    %c0_i32_0 = arith.constant 0 : i32
    %c0_i32_1 = arith.constant 0 : i32
    return %c0_i32, %c0_i32_0 : i32, i32
  }
  func.func @transform_9(%arg0: i32) -> (i32, i32) {
    %c0_i32 = arith.constant 0 : i32
    %c0_i32_0 = arith.constant 0 : i32
    %c0_i32_1 = arith.constant 0 : i32
    return %c0_i32, %c0_i32_0 : i32, i32
  }
  func.func @transform_10(%arg0: i32) -> (i32, i32) {
    %c0_i32 = arith.constant 0 : i32
    %c0_i32_0 = arith.constant 0 : i32
    %c0_i32_1 = arith.constant 0 : i32
    return %c0_i32, %c0_i32_0 : i32, i32
  }
  func.func @transform_11(%arg0: i32) -> (i32, i32) {
    %c0_i32 = arith.constant 0 : i32
    %c0_i32_0 = arith.constant 0 : i32
    return %arg0, %c0_i32 : i32, i32
  }
}

</mosaic_0001>

<sc_bundles>
// kernel: kernel.4.cloned.1.call-start
scs
__scs_entry_jumppad:
0x0: {  	(pc) =	sbr.rel $0x88, $3  }
0x1: {  	(tag) =	ssettag $0x0;
	lr =	simm.s32 $0x1  }
0x2: {  	[smem:$0x3F96] =	sst lr;
	_ =	strace $0xD0000000  }
0x3: {  	_ = 	snop  }
0x4: {  	_ = 	snop  }
0x5: {  	_ = 	snop  }
0x6: {  	_ = 	snop  }
0x7: {  	_ = 	snop  }
__scs_overlays_trampoline_lowered:
0x8: {  	[smem:$0x3FA5] =	sst s0  }
0x9: {  	[smem:$0x3FA6] =	sst s1  }
0xa: {  	[smem:$0x3FA7] =	sst s2  }
0xb: {  	[smem:$0x3FA8] =	sst s3  }
0xc: {  	[smem:$0x3FA9] =	sst s4  }
0xd: {  	[smem:$0x3FAA] =	sst s5  }
0xe: {  	[smem:$0x3FAB] =	sst s6  }
0xf: {  	[smem:$0x3FAC] =	sst s7  }
0x10: {  	[smem:$0x3FAD] =	sst s8  }
0x11: {  	[smem:$0x3FAE] =	sst s9;
	s0 =	simm.s32 @!p0 $0x0  }
0x12: {  	s1 =	sld [smem:$0x3F94];
	s0 =	simm.s32 @p0 $0x1  }
0x13: {  	[smem:$0x3FAF] =	sst s0;
	s0 =	simm.s32 @!p1 $0x0  }
0x14: {  	s2 =	sld [smem:$0x3F93];
	s0 =	simm.s32 @p1 $0x1  }
0x15: {  	[smem:$0x3FB0] =	sst s0;
	s0 =	simm.s32 @!p2 $0x0  }
0x16: {  	s3 =	sld [smem:$0x3FDB];
	s0 =	simm.s32 @p2 $0x1  }
0x17: {  	s4 =	simm.s32 $0x1BF5;
	[smem:$0x3FB2] =	sst s0  }
0x18: {  	s0 =	sld [smem:$0x3F95];
	_ =	swait.ge [sflag:s4], $0x0  }
0x19: {  	s7 =	sld [smem:$0x3F96]  }
0x1a: {  	s8 =	sadd.s32 $0xFFFFE003, lr  }
0x1b: {  	s9 =	sadd.s32 $0xFFFFFEF7, lr;
	s5 =	simm.s32 $0xFFFFFFFF;
	p2 =	slt.u32 s8, $0xFFFFF086  }
0x1c: {  	p1 =	slt.u32 s9, $0xF7A;
	s5 =	simm.s32 @!p2 $0x0  }
0x1d: {  	s5 =	simm.s32 @p1 $0x1;
	p0 =	seq.s32 s7, s2  }
0x1e: {  	s7 =	smul.u32 @!p0 $0xF7A, s2;
	p2 =	seq.s32 @!p0 s5, $0x0  }
0x1f: {  	s9 =	smul.u32 $0xF7A, s1;
	s8 =	simm.s32 @!p0 $0x1BF5;
	p2 =	por !p2, p0  }
0x20: {  	[sflag:s8] =	ssyncset.s32 @!p0 $0xFFFFF086;
	s6 =	sadd.s32 @!p0 s3, s7;
	s7 =	simm.s32 @!p0 $0x108  }
0x21: {  	s3 =	sadd.s32 s3, s9;
	s6 =	sadd.s32 @!p0 $0x88, s6;
	s7 =	simm.s32 @p2 $0x1082  }
0x22: {  	[simem:s7], [sflag:s8] =	dma.local @!p0 [hbm:s6], $0xF7A  }
0x23: {  	s9 =	sor.u32 $0xD0000000, s2;
	s6 =	simm.s32 $0x108;
	_ =	swait.ge @!p0 [sflag:s8], $0x0  }
0x24: {  	s3 =	sadd.s32 $0x88, s3;
	s6 =	simm.s32 @!p1 $0x1082;
	[sflag:s4] =	ssyncset.s32 $0xFFFFF086  }
0x25: {  	[simem:s6], [sflag:s4] =	dma.local [hbm:s3], $0xF7A  }
0x26: {  	[smem:$0x3F96] =	sst s1;
	(tag) =	ssettag s2;
	_ =	strace s9  }
0x27: {  	s1 =	sld [smem:$0x3FA6]  }
0x28: {  	s2 =	sld [smem:$0x3FA7]  }
0x29: {  	s4 =	sld [smem:$0x3FA9]  }
0x2a: {  	p0 =	seq.s32 s5, $0x0;
	s5 =	sld [smem:$0x3FAA]  }
0x2b: {  	s6 =	sld [smem:$0x3FAB]  }
0x2c: {  	s7 =	sld [smem:$0x3FAC]  }
0x2d: {  	s3 =	simm.s32 $0x108;
	s8 =	sld [smem:$0x3FAD]  }
0x2e: {  	s3 =	simm.s32 @!p0 $0x1082;
	s9 =	sld [smem:$0x3FAE]  }
0x2f: {  	lr =	sadd.s32 s0, s3;
	s0 =	sld [smem:$0x3FA5]  }
0x30: {  	s3 =	sld [smem:$0x3FA8]  }
0x31: {  	[smem:$0x3FB1] =	sst s10  }
0x32: {  	s10 =	sld [smem:$0x3FAF];
	_ =	sdelay $0x3  }
0x33: {  	p0 =	seq.s32 s10, $0x1;
	s10 =	sld [smem:$0x3FB1];
	_ =	sdelay $0x3  }
0x34: {  	[smem:$0x3FB1] =	sst s10  }
0x35: {  	s10 =	sld [smem:$0x3FB0];
	_ =	sdelay $0x3  }
0x36: {  	p1 =	seq.s32 s10, $0x1;
	s10 =	sld [smem:$0x3FB1];
	_ =	sdelay $0x3  }
0x37: {  	[smem:$0x3FB1] =	sst s10  }
0x38: {  	s10 =	sld [smem:$0x3FB2]  }
0x39: {  	_ = 	snop;
	(pc) =	sbr.ind lr, $3  }
0x3a: {  	_ = 	snop  }
0x3b: {  	_ = 	snop  }
0x3c: {  	p2 =	seq.s32 s10, $0x1;
	s10 =	sld [smem:$0x3FB1]  }
0x3d: {  	_ =	shalt  }
0x3e: {  	_ =	shalt  }
0x3f: {  	_ =	shalt  }
0x40: {  	_ =	shalt  }
0x41: {  	_ =	shalt  }
0x42: {  	_ =	shalt  }
0x43: {  	_ =	shalt  }
0x44: {  	_ =	shalt  }
0x45: {  	_ =	shalt  }
0x46: {  	_ =	shalt  }
0x47: {  	_ =	shalt  }
0x48: {  	_ =	shalt  }
0x49: {  	_ =	shalt  }
0x4a: {  	_ =	shalt  }
0x4b: {  	_ =	shalt  }
0x4c: {  	_ =	shalt  }
0x4d: {  	_ =	shalt  }
0x4e: {  	_ =	shalt  }
0x4f: {  	_ =	shalt  }
0x50: {  	_ =	shalt  }
0x51: {  	_ =	shalt  }
0x52: {  	_ =	shalt  }
0x53: {  	_ =	shalt  }
0x54: {  	_ =	shalt  }
0x55: {  	_ =	shalt  }
0x56: {  	_ =	shalt  }
0x57: {  	_ =	shalt  }
0x58: {  	_ =	shalt  }
0x59: {  	_ =	shalt  }
0x5a: {  	_ =	shalt  }
0x5b: {  	_ =	shalt  }
0x5c: {  	_ =	shalt  }
0x5d: {  	_ =	shalt  }
0x5e: {  	_ =	shalt  }
0x5f: {  	_ =	shalt  }
0x60: {  	_ =	shalt  }
0x61: {  	_ =	shalt  }
0x62: {  	_ =	shalt  }
0x63: {  	_ =	shalt  }
0x64: {  	_ =	shalt  }
0x65: {  	_ =	shalt  }
0x66: {  	_ =	shalt  }
0x67: {  	_ =	shalt  }
0x68: {  	_ =	shalt  }
0x69: {  	_ =	shalt  }
0x6a: {  	_ =	shalt  }
0x6b: {  	_ =	shalt  }
0x6c: {  	_ =	shalt  }
0x6d: {  	_ =	shalt  }
0x6e: {  	_ =	shalt  }
0x6f: {  	_ =	shalt  }
0x70: {  	_ =	shalt  }
0x71: {  	_ =	shalt  }
0x72: {  	_ =	shalt  }
0x73: {  	_ =	shalt  }
0x74: {  	_ =	shalt  }
0x75: {  	_ =	shalt  }
0x76: {  	_ =	shalt  }
0x77: {  	_ =	shalt  }
0x78: {  	_ =	shalt  }
0x79: {  	_ =	shalt  }
0x7a: {  	_ =	shalt  }
0x7b: {  	_ =	shalt  }
0x7c: {  	_ =	shalt  }
0x7d: {  	_ =	shalt  }
0x7e: {  	_ =	shalt  }
0x7f: {  	_ =	shalt  }
0x80: {  	_ =	shalt  }
0x81: {  	_ =	shalt  }
0x82: {  	_ =	shalt  }
0x83: {  	_ =	shalt  }
0x84: {  	_ =	shalt  }
0x85: {  	_ =	shalt  }
0x86: {  	_ =	shalt  }
0x87: {  	_ =	shalt  }
.Lfunc_end0:
.L_simem_size_0:
called_computation_lowered:
.L_overlay_start_0:
0x88: {  	s2 =	sld [smem:$0x3FD9]  }
0x89: {  	s3 =	sld [smem:$0x3FFE];
	_ =	sdelay $0x1  }
0x8a: {  	s1 =	srdreg.scid  }
0x8b: {  	s0 =	sand.u32 $0x1, s1  }
0x8c: {  	s14 =	sshll.u32 s0, $0xA;
	s2 =	sadd.s32 s3, s2  }
0x8d: {  	s2 =	sadd.s32 s2, s14  }
0x8e: {  	[smem:$0x3FBD] =	sst s2  }
0x8f: {  	_ = 	snop  }
0x90: {  	s2 =	sld [smem:$0x3FD0];
	_ =	sdelay $0x2  }
0x91: {  	s4 =	simm.s32 $0xA;
	s5 =	simm.s32 $0x10;
	s15 =	sld [smem:$0x3FC8]  }
0x92: {  	[smem:s5], [sflag:s4] =	dma.local [hbm:s2], $0x1  }
0x93: {  	_ =	swait.eq [sflag:s4], $0x1  }
0x94: {  	[sflag:s4] =	ssyncset.done $0x0  }
0x95: {  	s16 =	sld [smem:$0x10];
	[sflag:s4] =	ssyncadd.s32 $0xFFFFFFFF  }
0x96: {  	s17 =	sld [smem:$0x11];
	(tm) =	ssettm $0x1  }
0x97: {  	s18 =	sld [smem:$0x3FFB];
	_ =	sdelay $0x3  }
0x98: {  	_ =	strace s18  }
0x99: {  	s5 =	sld [smem:$0x3FFC];
	_ =	sdelay $0x3  }
0x9a: {  	_ =	strace s5  }
0x9b: {  	s5 =	sld [smem:$0x3FFD];
	_ =	sdelay $0x3  }
0x9c: {  	_ =	strace s5  }
0x9d: {  	_ =	strace $0x8FFFFFFF  }
0x9e: {  	s19 =	sld [smem:$0x3FDB];
	_ =	sdelay $0x1  }
0x9f: {  	s6 =	simm.s32 $_scs_section_size  }
0xa0: {  	s7 =	simm.s32 $_size__tile_overlayer_lowered;
	s8 =	simm.s32 $_tile_overlayer_lowered  }
0xa1: {  	s22 =	simm.s32 $0x1BFF;
	s21 =	sshll.u32 s8, $0x1;
	s5 =	sadd.s32 s6, s19  }
0xa2: {  	s9 =	simm.s32 $0x0;
	s20 =	sshll.u32 s7, $0x1;
	s7 =	sadd.s32 s21, s5  }
0xa3: {  	[timem:s9], [sflag:s22] =	dma.local [hbm:s7], s20  }
0xa4: {  	_ =	swait.ge [sflag:s22], s20  }
0xa5: {  	s6 =	ssub.s32 $0x0, s20;
	[sflag:s22] =	ssyncset.done $0x0  }
0xa6: {  	[sflag:s22] =	ssyncadd.s32 s6;
	_ =	sdelay $0x1  }
0xa7: {  	s23 =	simm.s32 $0x1B8B  }
0xa8: {  	_ =	swait.ge [sflag:s23], $0x1  }
0xa9: {  	[sflag:s23] =	ssyncset.done $0x0  }
0xaa: {  	s25 =	simm.s32 $0x1B8E;
	s24 =	sld [smem:$0x3FFE];
	[sflag:s23] =	ssyncadd.s32 $0xFFFFFFFF  }
0xab: {  	s26 =	simm.s32 $execute0_lowered;
	[smem:$0x3FD2] =	sst s25  }
0xac: {  	s7 =	sshll.u32 s26, $0x1;
	_ =	strace $0x80000046;
	[dreg:$0x1] =	wrdreg $0xFFFFFFFF  }
0xad: {  	s28 =	simm.s32 $_size_execute0_lowered;
	s5 =	sadd.s32 s5, s7;
	[dreg:$0x0] =	wrdreg $0x0  }
0xae: {  	s7 =	sshll.u32 s28, $0x1;
	[dreg:$0x2] =	wrdreg s5  }
0xaf: {  	[dreg:$0x3] =	wrdreg s7  }
0xb0: {  	[dreg:$0x4] =	wrdreg $0xC0  }
0xb1: {  	_ =	task [dreg:s9], $0x5FFFF  }
0xb2: {  	[dreg:$0x1] =	wrdreg $0xFFFFFFFF  }
0xb3: {  	[dreg:$0x0] =	wrdreg $0x60  }
0xb4: {  	[dreg:$0x2] =	wrdreg s15  }
0xb5: {  	[dreg:$0x3] =	wrdreg s24  }
0xb6: {  	[dreg:$0x4] =	wrdreg s17  }
0xb7: {  	[dreg:$0x5] =	wrdreg s16  }
0xb8: {  	[dreg:$0x6] =	wrdreg $0x64000  }
0xb9: {  	[dreg:$0x7] =	wrdreg $0x19E000  }
0xba: {  	[dreg:$0x8] =	wrdreg $0x9  }
0xbb: {  	_ =	task.clear_ibuf [dreg:s9], $0x9FFFF;
	_ =	strace $0x90000046  }
0xbc: {  	s29 =	simm.s32 $0x9;
	_ =	strace $0x80000048  }
0xbd: {  	_ =	swait.ge [sflag:s29], $0x1  }
0xbe: {  	[sflag:s29] =	ssyncadd.s32 $0xFFFFFFFF  }
0xbf: {  	_ =	strace $0x90000048  }
0xc0: {  	_ =	sfence  }
0xc1: {  	s30 =	sld [smem:$0x0];
	_ =	sdelay $0x2  }
0xc2: {  	s31 =	sshll.u32 s1, $0xD;
	s1 =	sshrl.u32 s1, $0x2  }
0xc3: {  	s3 =	sand.u32 $0x4000, s31;
	s1 =	sadd.s32 s1, s30  }
0xc4: {  	s0 =	sor.u32 s3, s0;
	s1 =	sshll.u32 s1, $0x11  }
0xc5: {  	s0 =	sor.u32 s1, s0  }
0xc6: {  	s0 =	sadd.s32 $0x8F2B, s0  }
0xc7: {  	[sflag:s0] =	ssyncadd.remote.s32 $0x1  }
0xc8: {  	_ =	sfence.sel $0xFFFF  }
0xc9: {  	[dreg:$0x0] =	wrdreg $0xFFFFFFFF;
	(pc) =	sbr.abs _section_cstart, $3  }
0xca: {  	[dreg:$0x1] =	wrdreg $0xFFFFFFFF  }
0xcb: {  	_ =	task.clear_ibuf [dreg:s9], $0x2FFFF;
	_ =	strace $0x9FFFFFFF  }
0xcc: {  	(tm) =	ssettm $0x7FFFFFFF  }
0xcd: {  	_ =	shalt  }
tec
execute0_lowered:
.L_overlay_start_1:
0x0: {  	(tag) =	ssettag $0x1  }
0x1: {  	s0 =	rddreg [dreg:$0x0]  }
0x2: {  	s1 =	rddreg [dreg:$0x1]  }
0x3: {  	s2 =	rddreg [dreg:$0x2]  }
0x4: {  	s3 =	rddreg [dreg:$0x3]  }
0x5: {  	s4 =	rddreg [dreg:$0x4]  }
0x6: {  	s5 =	rddreg [dreg:$0x5]  }
0x7: {  	s6 =	srdreg.scid;
	s7 =	simm.s32 $0x0;
	s17 =	stileid.u32  }
0x8: {  	s18 =	simm.s32 $0x400;
	s28 =	simm.s32 $0x1;
	s29 =	simm.s32 $0x3  }
0x9: {  	s30 =	simm.s32 $0x200;
	s31 =	simm.s32 $0x380;
	s6 =	sand.u32 $0x1, s6  }
0xa: {  	[smem:$0x7FF] =	sst s7;
	s11 =	sshll.u32 s17, $0xD;
	s12 =	sshll.u32 s17, $0xA  }
0xb: {  	s20 =	sshll.u32 s17, $0x1;
	s16 =	ssub.s32 $0xAC, s17;
	s8 =	smul.u32 $0x13A000, s6  }
0xc: {  	p0 =	sgt.u32 s17, $0x9;
	_ =	strace $0x80000047;
	s10 =	smul.u32 $0x2800, s6  }
0xd: {  	s15 =	ssub.s32 $0x2, s6;
	s6 =	sor.u32 s6, s20;
	s23 =	sadd.s32 s12, s5  }
0xe: {  	s21 =	sshrl.u32 s15, $0x1;
	[dreg:$0x7] =	wrdreg s23;
	s23 =	simm.s32 $0x4400  }
0xf: {  	s9 =	sadd.s32 s11, s8;
	s8 =	sadd.s32 $0x2200, s1;
	s19 =	sadd.s32 s12, s10  }
0x10: {  	s22 =	ssub.s32 s15, s21;
	s10 =	sshrl.u32 s16, $0x4;
	s21 =	simm.s32 $0x40  }
0x11: {  	s15 =	simm.s32 $0x0;
	s9 =	sshrl.u32 s9, $0x3;
	s13 =	sshrl.u32 s19, $0x3  }
0x12: {  	s26 =	smax.u32 s22, $0x1;
	s19 =	simm.s32 $0x6;
	s22 =	simm.s32 $0x300  }
0x13: {  	s14 =	sadd.s32 s9, s1;
	s9 =	smul.u32 $0x5000, s6;
	s1 =	sadd.s32 s13, s1  }
0x14: {  	s13 =	sadd.s32 s11, s4;
	[dreg:$0xb] =	wrdreg s26;
	s26 =	simm.s32 $0x2400  }
0x15: {  	s6 =	simm.s32 $0x280;
	s1 =	sadd.s32 $0x51200, s1;
	s24 =	sshrl.u32 s9, $0x3  }
0x16: {  	s16 =	sadd.s32 $0x2A00, s14;
	[dreg:$0xa] =	wrdreg s1;
	s25 =	sadd.s32 s2, s24  }
0x17: {  	s1 =	simm.s32 $0x2;
	s11 =	sadd.s32 s3, s24;
	[dreg:$0x8] =	wrdreg s25  }
0x18: {  	v0 =	vimm.f32 $0.0e+00;
	s24 =	simm.s32 $0x80;
	[dreg:$0x9] =	wrdreg s11;
	s25 =	simm.s32 $0x180  }
.LBB2_1:
0x19: {  	s20 =	simm.s32 $0x0;
	s11 =	simm.s32 $0x200  }
.LBB2_2:
0x1a: {  	p1 =	sne.s32 s11, $0x7E00;
	[tilespmem:s20+$0x470] =	vst v0  }
0x1b: {  	[tilespmem:s20+$0x400] =	vst v0  }
0x1c: {  	[tilespmem:s20+$0x410] =	vst v0  }
.Ltmp0:
0x1d: {  	[tilespmem:s20+$0x420] =	vst v0;
	(pc) =	sbr.rel @p1 .LBB2_2-.Ltmp0, $4  }
0x1e: {  	[tilespmem:s20+$0x430] =	vst v0  }
0x1f: {  	[tilespmem:s20+$0x440] =	vst v0  }
0x20: {  	[tilespmem:s20+$0x450] =	vst v0  }
0x21: {  	[tilespmem:s20+$0x460] =	vst v0;
	s20 =	sshra.s32 s11, $0x2;
	s11 =	sadd.s32 $0x200, s11  }
0x22: {  	[tilespmem:s20+$0x470] =	vst v0  }
0x23: {  	[tilespmem:s20+$0x400] =	vst v0  }
0x24: {  	[tilespmem:s20+$0x410] =	vst v0  }
0x25: {  	[tilespmem:s20+$0x420] =	vst v0  }
0x26: {  	[tilespmem:s20+$0x430] =	vst v0  }
0x27: {  	[tilespmem:s20+$0x440] =	vst v0;
	p1 =	sne.s32 s10, $0x1  }
.Ltmp1:
0x28: {  	[tilespmem:s20+$0x450] =	vst v0;
	(pc) =	sbr.rel @!p1 .LBB2_5-.Ltmp1, $4  }
0x29: {  	[tilespmem:s20+$0x460] =	vst v0  }
0x2a: {  	[spmem:s13] =	stream.linear.scatter [tilespmem:s18], [sflag:$0x6], $0x2000, $0x38;
	[tilespmem:$0x1A080] =	vst v63  }
0x2b: {  	_ =	swait.ge [sflag:s19], $0x2000  }
0x2c: {  	s11 =	sadd.s32 $0xFFFFFFFF, s10;
	s17 =	smov.u32 s13;
	[sflag:s19] =	ssyncset.done $0x0  }
.LBB2_4:
0x2d: {  	p1 =	sne.s32 s11, $0x1;
	[sflag:s19] =	ssyncadd.s32 $0xFFFFE000;
	s17 =	sadd.s32 $0x20000, s17  }
.Ltmp2:
0x2e: {  	s11 =	sadd.s32 $0xFFFFFFFF, s11;
	(pc) =	sbr.rel @p1 .LBB2_4-.Ltmp2, $4  }
0x2f: {  	_ = 	snop  }
0x30: {  	[spmem:s17] =	stream.linear.scatter [tilespmem:s18], [sflag:$0x6], $0x2000, $0x38;
	[tilespmem:$0x1A080] =	vst v63  }
0x31: {  	_ =	swait.ge [sflag:s19], $0x2000  }
0x32: {  	[sflag:s19] =	ssyncset.done $0x0  }
.LBB2_5:
0x33: {  	[sflag:s19] =	ssyncadd.s32 $0xFFFFE000;
	s11 =	simm.s32 @!p0 $0x400;
	s12 =	rddreg [dreg:$0x7]  }
0x34: {  	[spmem:s12] =	stream.linear.scatter @!p0 [tilespmem:s11], [sflag:$0x6], $0x400, $0x38;
	[tilespmem:$0x1A080] =	vst v63  }
0x35: {  	s11 =	simm.s32 @!p0 $0x6  }
0x36: {  	_ =	swait.ge @!p0 [sflag:s11], $0x400  }
0x37: {  	[sflag:s11] =	ssyncset.done @!p0 $0x0  }
0x38: {  	[sflag:s11] =	ssyncadd.s32 @!p0 $0xFFFFFC00  }
0x39: {  	[bflag:$0x0] =	sbarrier.arrive $0xFFFF  }
0x3a: {  	s20 =	simm.s32 $0x0;
	s12 =	rddreg [dreg:$0x8]  }
0x3b: {  	[tilespmem:s20], [sflag:$0x6] =	stream.linear.gather [hbm4b:s12+s20], $0x80, $0x38;
	[tilespmem:$0x1A080] =	vst v63  }
0x3c: {  	_ =	swait.ge [sflag:s19], $0x80  }
0x3d: {  	[sflag:s19] =	ssyncset.done $0x0  }
0x3e: {  	s17 =	simm.s32 $0x100;
	s14 =	rddreg [dreg:$0x9];
	[sflag:s19] =	ssyncadd.s32 $0xFFFFFF80  }
0x3f: {  	[tilespmem:s17], [sflag:$0x6] =	stream.linear.gather [hbm4b:s14+s20], $0x80, $0x38;
	[tilespmem:$0x1A080] =	vst v63  }
0x40: {  	_ =	swait.ge [sflag:s19], $0x80  }
0x41: {  	[sflag:s19] =	ssyncset.done $0x0  }
0x42: {  	[sflag:s19] =	ssyncadd.s32 $0xFFFFFF80  }
0x43: {  	[tilespmem:s18], [sflag:$0x1] =	stream.indirect.gather [hbm4b:s0+s21], $0x80, s17, s21, $0xb8;
	[tilespmem:$0x1A080] =	vst v63  }
0x44: {  	v1 =	vld [tilespmem:$0x0];
	_ =	sdelay $0x1  }
0x45: {  	v2 =	vld [tilespmem:$0x10];
	_ =	sdelay $0x1  }
0x46: {  	v3 =	vld [tilespmem:$0x20]  }
0x47: {  	v4 =	vshrl.u32 v1, $0x7  }
0x48: {  	v63 =	vld [tilespmem:$0x30];
	v1 =	vand.u32 $0x7F, v1;
	[tilespmem:$0x200] =	vst v4  }
0x49: {  	[tilespmem:$0x300] =	vst v1;
	v1 =	vshrl.u32 v2, $0x7  }
0x4a: {  	[tilespmem:$0x210] =	vst v1;
	v1 =	vand.u32 $0x7F, v2  }
0x4b: {  	[tilespmem:$0x310] =	vst v1;
	v1 =	vshrl.u32 v3, $0x7  }
0x4c: {  	[tilespmem:$0x220] =	vst v1;
	v1 =	vand.u32 $0x7F, v3  }
0x4d: {  	[tilespmem:$0x320] =	vst v1;
	v1 =	vshrl.u32 v63, $0x7  }
0x4e: {  	[tilespmem:$0x230] =	vst v1;
	v1 =	vand.u32 $0x7F, v63  }
0x4f: {  	[tilespmem:$0x330] =	vst v1  }
0x50: {  	[tilespmem:s23], [sflag:$0x3] =	stream.indirect.gather [hbm4b:s8+s21], $0x80, s22, s21, $0xb8;
	[tilespmem:$0x1A080] =	vst v63  }
.LBB2_6:
0x51: {  	s11 =	sand.u32 $0x7C00, s20  }
0x52: {  	p1 =	seq.s32 s20, $0x0;
	s17 =	sand.u32 $0x300, s20;
	s11 =	sadd.s32 s9, s11  }
0x53: {  	s14 =	simm.s32 @!p1 $0x5;
	s11 =	sor.u32 s11, s17  }
0x54: {  	_ =	swait.ge @!p1 [sflag:s14], $0x2000;
	s11 =	sor.u32 $0x80, s11  }
0x55: {  	[sflag:s14] =	ssyncset.done @!p1 $0x0;
	s11 =	sshrl.u32 s11, $0x3  }
0x56: {  	[sflag:s14] =	ssyncadd.s32 @!p1 $0xFFFFE000;
	s17 =	sadd.s32 s2, s11  }
0x57: {  	[tilespmem:s24], [sflag:$0x6] =	stream.linear.gather [hbm4b:s17+s7], $0x80, $0x38;
	[tilespmem:$0x1A080] =	vst v63  }
0x58: {  	_ =	swait.ge [sflag:s19], $0x80  }
0x59: {  	[sflag:s19] =	ssyncset.done $0x0  }
0x5a: {  	s11 =	sadd.s32 s3, s11;
	[sflag:s19] =	ssyncadd.s32 $0xFFFFFF80  }
0x5b: {  	[tilespmem:s25], [sflag:$0x6] =	stream.linear.gather [hbm4b:s11+s7], $0x80, $0x38;
	[tilespmem:$0x1A080] =	vst v63  }
0x5c: {  	_ =	swait.ge [sflag:s19], $0x80  }
0x5d: {  	[sflag:s19] =	ssyncset.done $0x0  }
0x5e: {  	[sflag:s19] =	ssyncadd.s32 $0xFFFFFF80  }
0x5f: {  	[tilespmem:s26], [sflag:$0x2] =	stream.indirect.gather [hbm4b:s0+s21], $0x80, s25, s21, $0xb8;
	[tilespmem:$0x1A080] =	vst v63  }
0x60: {  	v1 =	vld [tilespmem:$0x80];
	_ =	sdelay $0x1  }
0x61: {  	v2 =	vld [tilespmem:$0x90];
	_ =	sdelay $0x1  }
0x62: {  	v3 =	vld [tilespmem:$0xA0]  }
0x63: {  	v4 =	vshrl.u32 v1, $0x7  }
0x64: {  	v63 =	vld [tilespmem:$0xB0];
	v1 =	vand.u32 $0x7F, v1;
	[tilespmem:$0x280] =	vst v4  }
0x65: {  	[tilespmem:$0x380] =	vst v1;
	v1 =	vshrl.u32 v2, $0x7  }
0x66: {  	[tilespmem:$0x290] =	vst v1;
	v1 =	vand.u32 $0x7F, v2  }
0x67: {  	[tilespmem:$0x390] =	vst v1;
	v1 =	vshrl.u32 v3, $0x7  }
0x68: {  	[tilespmem:$0x2A0] =	vst v1;
	v1 =	vand.u32 $0x7F, v3  }
0x69: {  	[tilespmem:$0x3A0] =	vst v1;
	v1 =	vshrl.u32 v63, $0x7  }
0x6a: {  	[tilespmem:$0x2B0] =	vst v1;
	v1 =	vand.u32 $0x7F, v63  }
0x6b: {  	[tilespmem:$0x3B0] =	vst v1  }
0x6c: {  	_ =	swait.ge [sflag:s28], $0x2000  }
0x6d: {  	[sflag:s28] =	ssyncset.done $0x0  }
0x6e: {  	[sflag:s28] =	ssyncadd.s32 $0xFFFFE000  }
0x6f: {  	[spmem:s4] =	stream.indirect.scatter.add.f32 [tilespmem:s18], [sflag:$0x4], $0x80, s7, s21, $0xb8;
	[tilespmem:$0x1A080] =	vst v63  }
0x70: {  	_ =	swait.ge [sflag:s29], $0x2000  }
0x71: {  	[sflag:s29] =	ssyncset.done $0x0  }
0x72: {  	p1 =	seq.s32 s20, $0x4E00;
	[sflag:s29] =	ssyncadd.s32 $0xFFFFE000  }
0x73: {  	[spmem:s5] =	stream.indirect.scatter.add.f32 [tilespmem:s23], [sflag:$0x6], $0x80, s30, s21, $0xb8;
	[tilespmem:$0x1A080] =	vst v63  }
0x74: {  	s11 =	sadd.s32 @!p1 $0x100, s20;
	_ =	swait.ge [sflag:s19], $0x2000  }
0x75: {  	s17 =	simm.s32 @!p1 $0x4;
	s14 =	sand.u32 @!p1 $0xFC00, s11;
	[sflag:s19] =	ssyncset.done $0x0  }
0x76: {  	s11 =	sand.u32 @!p1 $0x300, s11;
	s14 =	sadd.s32 @!p1 s9, s14;
	[sflag:s19] =	ssyncadd.s32 $0xFFFFE000  }
0x77: {  	[tilespmem:s23], [sflag:$0x3] =	stream.indirect.gather [hbm4b:s8+s21], $0x80, s31, s21, $0xb8;
	[tilespmem:$0x1A080] =	vst v63  }
0x78: {  	s11 =	sor.u32 @!p1 s11, s14;
	_ =	swait.ge @!p1 [sflag:s17], $0x2000  }
0x79: {  	s11 =	sshrl.u32 @!p1 s11, $0x3;
	[sflag:s17] =	ssyncset.done @!p1 $0x0  }
0x7a: {  	s14 =	sadd.s32 @!p1 s2, s11;
	[sflag:s17] =	ssyncadd.s32 @!p1 $0xFFFFE000;
	s17 =	simm.s32 @!p1 $0x0  }
0x7b: {  	[tilespmem:s17], [sflag:$0x6] =	stream.linear.gather @!p1 [hbm4b:s14+s17], $0x80, $0x38;
	[tilespmem:$0x1A080] =	vst v63  }
0x7c: {  	s14 =	simm.s32 @!p1 $0x6  }
0x7d: {  	_ =	swait.ge @!p1 [sflag:s14], $0x80  }
0x7e: {  	[sflag:s14] =	ssyncset.done @!p1 $0x0  }
0x7f: {  	s12 =	simm.s32 @!p1 $0x100;
	s11 =	sadd.s32 @!p1 s3, s11;
	[sflag:s14] =	ssyncadd.s32 @!p1 $0xFFFFFF80  }
0x80: {  	[tilespmem:s12], [sflag:$0x6] =	stream.linear.gather @!p1 [hbm4b:s11+s17], $0x80, $0x38;
	[tilespmem:$0x1A080] =	vst v63  }
0x81: {  	_ =	swait.ge @!p1 [sflag:s14], $0x80  }
0x82: {  	[sflag:s14] =	ssyncset.done @!p1 $0x0  }
0x83: {  	s11 =	simm.s32 @!p1 $0x40;
	[sflag:s14] =	ssyncadd.s32 @!p1 $0xFFFFFF80;
	s14 =	simm.s32 @!p1 $0x400  }
0x84: {  	[tilespmem:s14], [sflag:$0x1] =	stream.indirect.gather @!p1 [hbm4b:s0+s11], $0x80, s12, s11, $0xb8;
	[tilespmem:$0x1A080] =	vst v63  }
0x85: {  	v1 =	vld @!p1 [tilespmem:$0x0];
	_ =	sdelay $0x1  }
0x86: {  	v2 =	vld @!p1 [tilespmem:$0x10];
	_ =	sdelay $0x1  }
0x87: {  	v3 =	vld @!p1 [tilespmem:$0x20]  }
0x88: {  	v4 =	vshrl.u32 @!p1 v1, $0x7  }
0x89: {  	v1 =	vand.u32 @!p1 $0x7F, v1;
	[tilespmem:$0x200] =	vst @!p1 v4;
	v4 =	vld @!p1 [tilespmem:$0x30]  }
0x8a: {  	[tilespmem:$0x300] =	vst @!p1 v1;
	v1 =	vshrl.u32 @!p1 v2, $0x7  }
0x8b: {  	[tilespmem:$0x210] =	vst @!p1 v1;
	v1 =	vand.u32 @!p1 $0x7F, v2  }
0x8c: {  	[tilespmem:$0x310] =	vst @!p1 v1;
	v1 =	vshrl.u32 @!p1 v3, $0x7  }
0x8d: {  	[tilespmem:$0x220] =	vst @!p1 v1;
	v1 =	vand.u32 @!p1 $0x7F, v3  }
0x8e: {  	[tilespmem:$0x320] =	vst @!p1 v1;
	v1 =	vshrl.u32 @!p1 v4, $0x7  }
0x8f: {  	[tilespmem:$0x230] =	vst @!p1 v1;
	v1 =	vand.u32 @!p1 $0x7F, v4  }
0x90: {  	[tilespmem:$0x330] =	vst @!p1 v1  }
0x91: {  	_ =	swait.ge [sflag:s1], $0x2000  }
0x92: {  	[sflag:s1] =	ssyncset.done $0x0  }
0x93: {  	[sflag:s1] =	ssyncadd.s32 $0xFFFFE000  }
0x94: {  	[spmem:s4] =	stream.indirect.scatter.add.f32 [tilespmem:s26], [sflag:$0x5], $0x80, s24, s21, $0xb8;
	[tilespmem:$0x1A080] =	vst v63  }
0x95: {  	_ =	swait.ge [sflag:s29], $0x2000  }
0x96: {  	[sflag:s29] =	ssyncset.done $0x0  }
.Ltmp3:
0x97: {  	[sflag:s29] =	ssyncadd.s32 $0xFFFFE000;
	(pc) =	sbr.rel @p1 .LBB2_8-.Ltmp3, $4  }
0x98: {  	[spmem:s5] =	stream.indirect.scatter.add.f32 [tilespmem:s23], [sflag:$0x6], $0x80, s6, s21, $0xb8;
	[tilespmem:$0x1A080] =	vst v63  }
0x99: {  	_ =	swait.ge [sflag:s19], $0x2000  }
0x9a: {  	[sflag:s19] =	ssyncset.done $0x0  }
0x9b: {  	[sflag:s19] =	ssyncadd.s32 $0xFFFFE000  }
.Ltmp4:
0x9c: {  	(pc) =	sbr.rel .LBB2_6-.Ltmp4, $3  }
0x9d: {  	_ =	sdelay $0x1  }
0x9e: {  	[tilespmem:s23], [sflag:$0x3] =	stream.indirect.gather [hbm4b:s8+s21], $0x80, s22, s21, $0xb8;
	[tilespmem:$0x1A080] =	vst v63  }
0x9f: {  	s20 =	sadd.s32 $0x100, s20  }
.LBB2_8:
0xa0: {  	s11 =	simm.s32 $0x4  }
0xa1: {  	_ =	swait.ge [sflag:s11], $0x2000  }
0xa2: {  	[sflag:s11] =	ssyncset.done $0x0  }
0xa3: {  	s20 =	simm.s32 $0x5;
	[sflag:s11] =	ssyncadd.s32 $0xFFFFE000  }
0xa4: {  	_ =	swait.ge [sflag:s20], $0x2000  }
0xa5: {  	[sflag:s20] =	ssyncset.done $0x0  }
0xa6: {  	[sflag:s20] =	ssyncadd.s32 $0xFFFFE000  }
0xa7: {  	[bflag:$0x0] =	sbarrier.arrive $0xFFFF  }
0xa8: {  	[tilespmem:s18], [sflag:$0x6] =	stream.linear.gather [spmem:s13], $0x2000, $0x38;
	[tilespmem:$0x1A080] =	vst v63  }
0xa9: {  	p1 =	seq.s32 s10, $0x1;
	_ =	swait.ge [sflag:s19], $0x2000  }
.Ltmp5:
0xaa: {  	[sflag:s19] =	ssyncset.done $0x0;
	(pc) =	sbr.rel @p1 .LBB2_10-.Ltmp5, $4  }
0xab: {  	[sflag:s19] =	ssyncadd.s32 $0xFFFFE000  }
0xac: {  	[hbm4b:s16+s7] =	stream.linear.scatter [tilespmem:s18], [sflag:$0x6], $0x2000, $0x38;
	[tilespmem:$0x1A080] =	vst v63  }
0xad: {  	s17 =	smov.u32 s16;
	_ =	swait.ge [sflag:s19], $0x2000  }
0xae: {  	s11 =	smov.u32 s13;
	s20 =	sadd.s32 $0xFFFFFFFF, s10;
	[sflag:s19] =	ssyncset.done $0x0  }
.LBB2_9:
0xaf: {  	[sflag:s19] =	ssyncadd.s32 $0xFFFFE000;
	s17 =	sadd.s32 $0x4000, s17;
	s11 =	sadd.s32 $0x20000, s11  }
0xb0: {  	[tilespmem:s18], [sflag:$0x6] =	stream.linear.gather [spmem:s11], $0x2000, $0x38;
	[tilespmem:$0x1A080] =	vst v63  }
0xb1: {  	p1 =	seq.s32 s20, $0x1;
	s20 =	sadd.s32 $0xFFFFFFFF, s20;
	_ =	swait.ge [sflag:s19], $0x2000  }
.Ltmp6:
0xb2: {  	[sflag:s19] =	ssyncset.done $0x0;
	(pc) =	sbr.rel @!p1 .LBB2_9-.Ltmp6, $4  }
0xb3: {  	[sflag:s19] =	ssyncadd.s32 $0xFFFFE000  }
0xb4: {  	[hbm4b:s17+s7] =	stream.linear.scatter [tilespmem:s18], [sflag:$0x6], $0x2000, $0x38;
	[tilespmem:$0x1A080] =	vst v63  }
0xb5: {  	_ =	swait.ge [sflag:s19], $0x2000  }
0xb6: {  	[sflag:s19] =	ssyncset.done $0x0  }
.LBB2_10:
0xb7: {  	[sflag:s19] =	ssyncadd.s32 $0xFFFFE000;
	s11 =	simm.s32 @!p0 $0x2400;
	s12 =	rddreg [dreg:$0x7]  }
0xb8: {  	[tilespmem:s11], [sflag:$0x6] =	stream.linear.gather @!p0 [spmem:s12], $0x400, $0x38;
	[tilespmem:$0x1A080] =	vst v63  }
0xb9: {  	s12 =	simm.s32 @!p0 $0x6  }
0xba: {  	_ =	swait.ge @!p0 [sflag:s12], $0x400  }
0xbb: {  	[sflag:s12] =	ssyncset.done @!p0 $0x0  }
0xbc: {  	s14 =	simm.s32 @!p0 $0x0;
	s17 =	rddreg [dreg:$0xa];
	[sflag:s12] =	ssyncadd.s32 @!p0 $0xFFFFFC00  }
0xbd: {  	[hbm4b:s17+s14] =	stream.linear.scatter @!p0 [tilespmem:s11], [sflag:$0x6], $0x400, $0x38;
	[tilespmem:$0x1A080] =	vst v63  }
0xbe: {  	_ =	swait.ge @!p0 [sflag:s12], $0x400  }
0xbf: {  	s15 =	sadd.s32 $0x1, s15;
	s20 =	rddreg [dreg:$0xb]  }
0xc0: {  	p1 =	sne.s32 s15, s20  }
.Ltmp7:
0xc1: {  	_ = 	snop;
	(pc) =	sbr.rel @p1 .LBB2_1-.Ltmp7, $3  }
0xc2: {  	_ =	sdelay $0x1  }
0xc3: {  	[sflag:s12] =	ssyncset.done @!p0 $0x0  }
0xc4: {  	[sflag:s12] =	ssyncadd.s32 @!p0 $0xFFFFFC00  }
0xc5: {  	_ =	sfence.sel $0x180000  }
0xc6: {  	[bflag:$0x0] =	sbarrier.arrive $0xFFFF  }
0xc7: {  	_ =	strace $0x90000047  }
0xc8: {  	s0 =	stileid.u32;
	[bflag:$0x2] =	sbarrier.arrive $0xFFFF  }
0xc9: {  	p0 =	sne.s32 s0, $0x0;
	s0 =	rddreg [dreg:$0x6]  }
0xca: {  	s0 =	sadd.s32 @!p0 $0x100000, s0  }
0xcb: {  	[sflag:s0] =	ssyncadd.tile.s32 @!p0 $0x1;
	_ =	shalt  }
.Lfunc_end2:
_tile_overlayer_lowered:
.L_overlay_start_2:
0xcc: {  	(tag) =	ssettag $0x2  }
0xcd: {  	s0 =	rddreg [dreg:$0x0];
	s2 =	stileid.u32  }
0xce: {  	s1 =	rddreg [dreg:$0x1];
	p0 =	sne.s32 s2, $0x0  }
0xcf: {  	s3 =	rddreg [dreg:$0x2];
	[bflag:$0x3] =	sbarrier.arrive $0xFFFF;
	s2 =	simm.s32 @!p0 $0x1C06  }
0xd0: {  	[timem:s3], [sflag:s2] =	dma.local @!p0 [hbm:s0], s1  }
0xd1: {  	s0 =	simm.s32 @!p0 $0x6  }
0xd2: {  	_ =	swait.ge @!p0 [sflag:s0], s1  }
0xd3: {  	s1 =	ssub.s32 @!p0 $0x0, s1;
	[sflag:s0] =	ssyncset.done @!p0 $0x0  }
0xd4: {  	[sflag:s0] =	ssyncadd.s32 @!p0 s1  }
0xd5: {  	[bflag:$0x3] =	sbarrier.arrive $0xFFFF  }
0xd6: {  	_ =	shalt  }

</sc_bundles>
